<compile_context>
chip_gen: v7x
topology: tpu7x:2x2x1
jax: 0.10.2.dev20260603
libtpu: 0.0.44.dev20260713+nightly
codegen_flags: <defaults>
</compile_context>

<pallas_src>
import jax
import jax.numpy as jnp
from jax import lax
from jax.experimental import pallas as pl
from jax.experimental.pallas import tpu as pltpu
from jax.experimental.pallas import tpu_sc as plsc

B, S, L, V, D = 1024, 200, 8, 100000, 128
NC, NS = 2, 16
NW = NC * NS
BPW = B // NW
LANES = 16
C0, C1 = 128, S - 128
NBUF = 4
PF = 2


QR = 56


def _body(table_hbm, ids_hbm, starts_hbm, fusion_hbm, out_hbm,
          ids_v, starts_v, fus_v, rows_v, stage_s, sem_g, sem_w, sem_a, sem_b):
    sid = lax.axis_index("s")
    wid = sid * NC + lax.axis_index("c")
    base = wid * BPW
    pltpu.sync_copy(ids_hbm.at[pl.ds(base, BPW)], ids_v)
    pltpu.sync_copy(starts_hbm.at[pl.ds(base, BPW)], starts_v)

    col_iota = lax.iota(jnp.int32, LANES)
    zeros16 = jnp.full((LANES,), 0, jnp.int32)

    def start_gather(j, k):
        pltpu.async_copy(table_hbm.at[ids_v.at[j, pl.ds(0, C0)]],
                         rows_v.at[k, pl.ds(0, C0)], sem_g.at[k])
        pltpu.async_copy(table_hbm.at[ids_v.at[j, pl.ds(C0, C1)]],
                         rows_v.at[k, pl.ds(C0, C1)], sem_g.at[k])
        pltpu.async_copy(fusion_hbm.at[base + j], fus_v.at[k], sem_g.at[k])

    def wait_gather(k):
        pltpu.make_async_copy(table_hbm.at[pl.ds(0, C0)],
                              rows_v.at[k, pl.ds(0, C0)], sem_g.at[k]).wait()
        pltpu.make_async_copy(table_hbm.at[pl.ds(0, C1)],
                              rows_v.at[k, pl.ds(C0, C1)], sem_g.at[k]).wait()
        pltpu.make_async_copy(fusion_hbm.at[0], fus_v.at[k], sem_g.at[k]).wait()

    def wait_write(k):
        pltpu.make_async_copy(rows_v.at[k, pl.ds(QR, S - QR)],
                              out_hbm.at[0, pl.ds(QR, S - QR)],
                              sem_w.at[k]).wait()

    def wait_a(ss):
        pltpu.make_async_copy(rows_v.at[0, pl.ds(0, QR)],
                              stage_s.at[0, 0], sem_a.at[ss]).wait()

    def wait_b(ss):
        pltpu.make_async_copy(stage_s.at[0, 0],
                              out_hbm.at[0, pl.ds(0, QR)], sem_b.at[ss]).wait()

    for p in range(PF):
        start_gather(p, p)

    def step(j, carry):
        k = lax.rem(j, NBUF)

        @pl.when(j + PF < BPW)
        def _():
            k2 = lax.rem(j + PF, NBUF)

            @pl.when(j + PF >= NBUF)
            def _():
                wait_write(k2)

            start_gather(j + PF, k2)

        wait_gather(k)

        kvec = zeros16 + k
        jvec = zeros16 + j
        start_vec = plsc.load_gather(starts_v, [jvec])
        for l in range(L):
            row_idx = start_vec + l
            for c in range(D // LANES):
                x = fus_v[k, l, pl.ds(c * LANES, LANES)]
                plsc.addupdate_scatter(
                    rows_v, [kvec, row_idx, col_iota + c * LANES], x)

        pltpu.async_copy(rows_v.at[k, pl.ds(QR, S - QR)],
                         out_hbm.at[base + j, pl.ds(QR, S - QR)], sem_w.at[k])
        ss = lax.rem(j, 2)

        @pl.when(j >= 2)
        def _():
            wait_b(ss)

        pltpu.async_copy(rows_v.at[k, pl.ds(0, QR)],
                         stage_s.at[sid, ss], sem_a.at[ss])

        @pl.when(j >= 1)
        def _():
            s2 = lax.rem(j + 1, 2)
            wait_a(s2)
            pltpu.async_copy(stage_s.at[sid, s2],
                             out_hbm.at[base + j - 1, pl.ds(0, QR)],
                             sem_b.at[s2])
        return carry

    lax.fori_loop(0, BPW, step, 0)
    last = jnp.int32(BPW - 1)
    wait_a(lax.rem(last, 2))
    pltpu.async_copy(stage_s.at[sid, lax.rem(last, 2)],
                     out_hbm.at[base + last, pl.ds(0, QR)],
                     sem_b.at[lax.rem(last, 2)])
    wait_b(lax.rem(last - 1, 2))
    wait_b(lax.rem(last, 2))
    for t in range(NBUF):
        wait_write(lax.rem(jnp.int32(BPW - NBUF + t), NBUF))


_mesh = plsc.VectorSubcoreMesh(core_axis_name="c", subcore_axis_name="s")

_sc_call = pl.kernel(
    _body,
    out_type=jax.ShapeDtypeStruct((B, S, D), jnp.float32),
    mesh=_mesh,
    compiler_params=pltpu.CompilerParams(needs_layout_passes=False),
    scratch_types=[
        pltpu.VMEM((BPW, S), jnp.int32),
        pltpu.VMEM((BPW,), jnp.int32),
        pltpu.VMEM((NBUF, L, D), jnp.float32),
        pltpu.VMEM((NBUF, S, D), jnp.float32),
        pltpu.VMEM_SHARED((NS, 2, QR, D), jnp.float32),
        pltpu.SemaphoreType.DMA((NBUF,)),
        pltpu.SemaphoreType.DMA((NBUF,)),
        pltpu.SemaphoreType.DMA((2,)),
        pltpu.SemaphoreType.DMA((2,)),
    ],
)


def kernel(embed_table, input_ids, starts, fusion):
    return _sc_call(embed_table,
                    input_ids.astype(jnp.int32),
                    starts.astype(jnp.int32),
                    fusion)

# --- scband reference (transcript-rebuilt; emitter-appended) ---
"""Pipeline reference for scband-swea-19121194402420 (READ-ONLY COPY).

The authoritative reference and input builder live on the scoring server;
editing this copy changes nothing except your own understanding.
"""

import jax, jax.numpy as jnp
import numpy as np


def setup_inputs(seed: int = 0) -> dict:
    key = jax.random.key(seed)
    k1, k2, k3, k4 = jax.random.split(key, 4)
    B, S, L, V, D = 1024, 200, 8, 100000, 128
    input_ids = jax.random.randint(k1, (B, S), 0, V)
    starts = jax.random.randint(k2, (B,), 0, S - L)
    fusion = jax.random.normal(k3, (B, L, D), dtype=jnp.float32)
    embed_table = jax.random.normal(k4, (V, D), dtype=jnp.float32) * 0.02
    return {"embed_table": embed_table, "input_ids": input_ids, "starts": starts, "fusion": fusion}


def reference(embed_table, input_ids, starts, fusion):
    # Faithful abstraction of SWEA.hook_fn: the wrapped model's input embedding
    # layer performs a table gather, then the hook scatter-adds a learned
    # 'fusion' embedding onto a matched contiguous token span per batch row
    # (output[i, start:start+L, :] += fusion[i]).
    B, S = input_ids.shape
    L = fusion.shape[1]
    # embedding lookup (gather)
    out = jnp.take(embed_table, input_ids, axis=0)  # [B, S, D]
    # span positions per batch row
    pos = starts[:, None] + jnp.arange(L)[None, :]  # [B, L]
    batch_idx = jnp.arange(B)[:, None]              # [B, 1]
    # scatter-add fusion vectors into the span
    out = out.at[batch_idx, pos].add(fusion)
    return out

if __name__ == "__main__":
    import jax
    _d = setup_inputs()
    print(jax.jit(kernel)(*tuple(_d.values())))

</pallas_src>

<mosaic_0001>
#map = affine_map<(d0, d1) -> (0, 0)>
#map1 = affine_map<(d0, d1) -> (0)>
#map2 = affine_map<(d0, d1) -> (0, 0, 0)>
module attributes {stable_mosaic.version = 14 : i64} {
  func.func @_body(%arg0: i32, %arg1: i32, %arg2: memref<100000x128xf32, #tpu.memory_space<hbm>>, %arg3: memref<1024x200xi32, #tpu.memory_space<hbm>>, %arg4: memref<1024xi32, #tpu.memory_space<hbm>>, %arg5: memref<1024x8x128xf32, #tpu.memory_space<hbm>>, %arg6: memref<1024x200x128xf32, #tpu.memory_space<hbm>>, %arg7: memref<32x200xi32, #tpu.memory_space<vmem>>, %arg8: memref<32xi32, #tpu.memory_space<vmem>>, %arg9: memref<4x8x128xf32, #tpu.memory_space<vmem>>, %arg10: memref<4x200x128xf32, #tpu.memory_space<vmem>>, %arg11: memref<16x2x56x128xf32, #tpu.memory_space<vmem_shared>>, %arg12: memref<4x!tpu.dma_semaphore, #tpu.memory_space<semaphore_mem>>, %arg13: memref<4x!tpu.dma_semaphore, #tpu.memory_space<semaphore_mem>>, %arg14: memref<2x!tpu.dma_semaphore, #tpu.memory_space<semaphore_mem>>, %arg15: memref<2x!tpu.dma_semaphore, #tpu.memory_space<semaphore_mem>>) attributes {dimension_semantics = [#tpu.dimension_semantics<core_parallel>, #tpu.dimension_semantics<subcore_parallel>], iteration_bounds = array<i64: 2, 16>, scalar_prefetch = 0 : i64, scratch_operands = 9 : i64, tpu.core_type = #tpu.core_type<sc_vector_subcore>, window_params = [{transform_indices = #map}, {transform_indices = #map}, {transform_indices = #map1}, {transform_indices = #map2}, {transform_indices = #map2}]} {
    %mul3A = arith.constant 2 : i32
    %mul3A_0 = arith.muli %arg1, %mul3A : i32
    %add3A = arith.addi %mul3A_0, %arg0 : i32
    %mul3A_1 = arith.constant 32 : i32
    %mul3A_2 = arith.muli %add3A, %mul3A_1 : i32
    "tpu.region"() ({
      %run_scoped3A = tpu.sem_alloc : memref<!tpu.dma_semaphore, #tpu.memory_space<semaphore_mem>>
      %dma_start3A_273 = arith.constant 0 : i32
      %dma_start3A_274 = tpu.memref_slice %arg3[%mul3A_2, %dma_start3A_273] : memref<1024x200xi32, #tpu.memory_space<hbm>> -> memref<32x200xi32, #tpu.memory_space<hbm>>
      %dma_start3A_275 = arith.constant 0 : i32
      %dma_start3A_276 = tpu.memref_slice %arg3[%mul3A_2, %dma_start3A_275] : memref<1024x200xi32, #tpu.memory_space<hbm>> -> memref<32x200xi32, #tpu.memory_space<hbm>>
      tpu.enqueue_dma source(%dma_start3A_276 : memref<32x200xi32, #tpu.memory_space<hbm>>) target(%arg7 : memref<32x200xi32, #tpu.memory_space<vmem>>) target_semaphore(%run_scoped3A : memref<!tpu.dma_semaphore, #tpu.memory_space<semaphore_mem>>)
      %dma_wait3A_277 = arith.constant 0 : i32
      %dma_wait3A_278 = tpu.memref_slice %arg3[%mul3A_2, %dma_wait3A_277] : memref<1024x200xi32, #tpu.memory_space<hbm>> -> memref<32x200xi32, #tpu.memory_space<hbm>>
      %dma_wait3A_279 = arith.constant 0 : i32
      %dma_wait3A_280 = tpu.memref_slice %arg3[%mul3A_2, %dma_wait3A_279] : memref<1024x200xi32, #tpu.memory_space<hbm>> -> memref<32x200xi32, #tpu.memory_space<hbm>>
      tpu.wait_dma2 semaphore(%run_scoped3A : memref<!tpu.dma_semaphore, #tpu.memory_space<semaphore_mem>>) src(%dma_wait3A_280 : memref<32x200xi32, #tpu.memory_space<hbm>>) dst(%arg7 : memref<32x200xi32, #tpu.memory_space<vmem>>)
      tpu.yield
    }) : () -> ()
    "tpu.region"() ({
      %run_scoped3A = tpu.sem_alloc : memref<!tpu.dma_semaphore, #tpu.memory_space<semaphore_mem>>
      %dma_start3A_273 = tpu.memref_slice %arg4[%mul3A_2] : memref<1024xi32, #tpu.memory_space<hbm>> -> memref<32xi32, #tpu.memory_space<hbm>>
      %dma_start3A_274 = tpu.memref_slice %arg4[%mul3A_2] : memref<1024xi32, #tpu.memory_space<hbm>> -> memref<32xi32, #tpu.memory_space<hbm>>
      tpu.enqueue_dma source(%dma_start3A_274 : memref<32xi32, #tpu.memory_space<hbm>>) target(%arg8 : memref<32xi32, #tpu.memory_space<vmem>>) target_semaphore(%run_scoped3A : memref<!tpu.dma_semaphore, #tpu.memory_space<semaphore_mem>>)
      %dma_wait3A_275 = tpu.memref_slice %arg4[%mul3A_2] : memref<1024xi32, #tpu.memory_space<hbm>> -> memref<32xi32, #tpu.memory_space<hbm>>
      %dma_wait3A_276 = tpu.memref_slice %arg4[%mul3A_2] : memref<1024xi32, #tpu.memory_space<hbm>> -> memref<32xi32, #tpu.memory_space<hbm>>
      tpu.wait_dma2 semaphore(%run_scoped3A : memref<!tpu.dma_semaphore, #tpu.memory_space<semaphore_mem>>) src(%dma_wait3A_276 : memref<32xi32, #tpu.memory_space<hbm>>) dst(%arg8 : memref<32xi32, #tpu.memory_space<vmem>>)
      tpu.yield
    }) : () -> ()
    %iota3A = tpu.iota {dimensions = array<i32: 0>} : vector<16xi32>
    %broadcast_in_dim3A = arith.constant 0 : i32
    %broadcast_in_dim3A_3 = vector.broadcast %broadcast_in_dim3A : i32 to vector<16xi32>
    %dma_start3A = arith.constant 0 : i32
    %dma_start3A_4 = arith.constant 0 : i32
    %dma_start3A_5 = arith.constant 0 : i32
    %dma_start3A_6 = arith.constant 0 : i32
    %dma_start3A_7 = arith.constant 0 : i32
    %dma_start3A_8 = tpu.memref_slice %arg10[%dma_start3A_4, %dma_start3A_6, %dma_start3A_7] : memref<4x200x128xf32, #tpu.memory_space<vmem>> -> memref<1x128x128xf32, #tpu.memory_space<vmem>>
    %dma_start3A_9 = tpu.memref_squeeze %dma_start3A_8 : memref<1x128x128xf32, #tpu.memory_space<vmem>> -> memref<128x128xf32, #tpu.memory_space<vmem>>
    %dma_start3A_10 = arith.constant 0 : i32
    %dma_start3A_11 = tpu.memref_slice %arg7[%dma_start3A, %dma_start3A_10] : memref<32x200xi32, #tpu.memory_space<vmem>> -> memref<1x128xi32, #tpu.memory_space<vmem>>
    %dma_start3A_12 = tpu.memref_squeeze %dma_start3A_11 : memref<1x128xi32, #tpu.memory_space<vmem>> -> memref<128xi32, #tpu.memory_space<vmem>>
    %dma_start3A_13 = arith.constant 0 : i32
    %dma_start3A_14 = arith.constant 0 : i32
    %dma_start3A_15 = tpu.memref_slice %arg2[%dma_start3A_13, %dma_start3A_14] : memref<100000x128xf32, #tpu.memory_space<hbm>> -> memref<100000x128xf32, #tpu.memory_space<hbm>>
    %dma_start3A_16 = tpu.memref_slice %arg12[%dma_start3A_5] : memref<4x!tpu.dma_semaphore, #tpu.memory_space<semaphore_mem>> -> memref<1x!tpu.dma_semaphore, #tpu.memory_space<semaphore_mem>>
    %dma_start3A_17 = tpu.memref_squeeze %dma_start3A_16 : memref<1x!tpu.dma_semaphore, #tpu.memory_space<semaphore_mem>> -> memref<!tpu.dma_semaphore, #tpu.memory_space<semaphore_mem>>
    tpu.enqueue_indirect_dma source(%dma_start3A_15 : memref<100000x128xf32, #tpu.memory_space<hbm>>) target(%dma_start3A_9 : memref<128x128xf32, #tpu.memory_space<vmem>>) offsets(%dma_start3A_12 : memref<128xi32, #tpu.memory_space<vmem>>) semaphore(%dma_start3A_17 : memref<!tpu.dma_semaphore, #tpu.memory_space<semaphore_mem>>)
    %dma_start3A_18 = arith.constant 0 : i32
    %dma_start3A_19 = arith.constant 0 : i32
    %dma_start3A_20 = arith.constant 0 : i32
    %dma_start3A_21 = arith.constant 128 : i32
    %dma_start3A_22 = arith.constant 0 : i32
    %dma_start3A_23 = tpu.memref_slice %arg10[%dma_start3A_19, %dma_start3A_21, %dma_start3A_22] : memref<4x200x128xf32, #tpu.memory_space<vmem>> -> memref<1x72x128xf32, #tpu.memory_space<vmem>>
    %dma_start3A_24 = tpu.memref_squeeze %dma_start3A_23 : memref<1x72x128xf32, #tpu.memory_space<vmem>> -> memref<72x128xf32, #tpu.memory_space<vmem>>
    %dma_start3A_25 = arith.constant 128 : i32
    %dma_start3A_26 = tpu.memref_slice %arg7[%dma_start3A_18, %dma_start3A_25] : memref<32x200xi32, #tpu.memory_space<vmem>> -> memref<1x72xi32, #tpu.memory_space<vmem>>
    %dma_start3A_27 = tpu.memref_squeeze %dma_start3A_26 : memref<1x72xi32, #tpu.memory_space<vmem>> -> memref<72xi32, #tpu.memory_space<vmem>>
    %dma_start3A_28 = arith.constant 0 : i32
    %dma_start3A_29 = arith.constant 0 : i32
    %dma_start3A_30 = tpu.memref_slice %arg2[%dma_start3A_28, %dma_start3A_29] : memref<100000x128xf32, #tpu.memory_space<hbm>> -> memref<100000x128xf32, #tpu.memory_space<hbm>>
    %dma_start3A_31 = tpu.memref_slice %arg12[%dma_start3A_20] : memref<4x!tpu.dma_semaphore, #tpu.memory_space<semaphore_mem>> -> memref<1x!tpu.dma_semaphore, #tpu.memory_space<semaphore_mem>>
    %dma_start3A_32 = tpu.memref_squeeze %dma_start3A_31 : memref<1x!tpu.dma_semaphore, #tpu.memory_space<semaphore_mem>> -> memref<!tpu.dma_semaphore, #tpu.memory_space<semaphore_mem>>
    tpu.enqueue_indirect_dma source(%dma_start3A_30 : memref<100000x128xf32, #tpu.memory_space<hbm>>) target(%dma_start3A_24 : memref<72x128xf32, #tpu.memory_space<vmem>>) offsets(%dma_start3A_27 : memref<72xi32, #tpu.memory_space<vmem>>) semaphore(%dma_start3A_32 : memref<!tpu.dma_semaphore, #tpu.memory_space<semaphore_mem>>)
    %add3A_33 = arith.constant 0 : i32
    %add3A_34 = arith.addi %mul3A_2, %add3A_33 : i32
    %dma_start3A_35 = arith.constant 0 : i32
    %dma_start3A_36 = arith.constant 0 : i32
    %dma_start3A_37 = arith.constant 0 : i32
    %dma_start3A_38 = arith.constant 0 : i32
    %dma_start3A_39 = tpu.memref_slice %arg9[%dma_start3A_35, %dma_start3A_37, %dma_start3A_38] : memref<4x8x128xf32, #tpu.memory_space<vmem>> -> memref<1x8x128xf32, #tpu.memory_space<vmem>>
    %dma_start3A_40 = tpu.memref_squeeze %dma_start3A_39 : memref<1x8x128xf32, #tpu.memory_space<vmem>> -> memref<8x128xf32, #tpu.memory_space<vmem>>
    %dma_start3A_41 = arith.constant 0 : i32
    %dma_start3A_42 = arith.constant 0 : i32
    %dma_start3A_43 = tpu.memref_slice %arg5[%add3A_34, %dma_start3A_41, %dma_start3A_42] : memref<1024x8x128xf32, #tpu.memory_space<hbm>> -> memref<1x8x128xf32, #tpu.memory_space<hbm>>
    %dma_start3A_44 = tpu.memref_squeeze %dma_start3A_43 : memref<1x8x128xf32, #tpu.memory_space<hbm>> -> memref<8x128xf32, #tpu.memory_space<hbm>>
    %dma_start3A_45 = tpu.memref_slice %arg12[%dma_start3A_36] : memref<4x!tpu.dma_semaphore, #tpu.memory_space<semaphore_mem>> -> memref<1x!tpu.dma_semaphore, #tpu.memory_space<semaphore_mem>>
    %dma_start3A_46 = tpu.memref_squeeze %dma_start3A_45 : memref<1x!tpu.dma_semaphore, #tpu.memory_space<semaphore_mem>> -> memref<!tpu.dma_semaphore, #tpu.memory_space<semaphore_mem>>
    %dma_start3A_47 = arith.constant 0 : i32
    %dma_start3A_48 = arith.constant 0 : i32
    %dma_start3A_49 = tpu.memref_slice %arg9[%dma_start3A_35, %dma_start3A_47, %dma_start3A_48] : memref<4x8x128xf32, #tpu.memory_space<vmem>> -> memref<1x8x128xf32, #tpu.memory_space<vmem>>
    %dma_start3A_50 = tpu.memref_squeeze %dma_start3A_49 : memref<1x8x128xf32, #tpu.memory_space<vmem>> -> memref<8x128xf32, #tpu.memory_space<vmem>>
    %dma_start3A_51 = arith.constant 0 : i32
    %dma_start3A_52 = arith.constant 0 : i32
    %dma_start3A_53 = tpu.memref_slice %arg5[%add3A_34, %dma_start3A_51, %dma_start3A_52] : memref<1024x8x128xf32, #tpu.memory_space<hbm>> -> memref<1x8x128xf32, #tpu.memory_space<hbm>>
    %dma_start3A_54 = tpu.memref_squeeze %dma_start3A_53 : memref<1x8x128xf32, #tpu.memory_space<hbm>> -> memref<8x128xf32, #tpu.memory_space<hbm>>
    tpu.enqueue_dma source(%dma_start3A_54 : memref<8x128xf32, #tpu.memory_space<hbm>>) target(%dma_start3A_50 : memref<8x128xf32, #tpu.memory_space<vmem>>) target_semaphore(%dma_start3A_46 : memref<!tpu.dma_semaphore, #tpu.memory_space<semaphore_mem>>)
    %dma_start3A_55 = arith.constant 1 : i32
    %dma_start3A_56 = arith.constant 1 : i32
    %dma_start3A_57 = arith.constant 1 : i32
    %dma_start3A_58 = arith.constant 0 : i32
    %dma_start3A_59 = arith.constant 0 : i32
    %dma_start3A_60 = tpu.memref_slice %arg10[%dma_start3A_56, %dma_start3A_58, %dma_start3A_59] : memref<4x200x128xf32, #tpu.memory_space<vmem>> -> memref<1x128x128xf32, #tpu.memory_space<vmem>>
    %dma_start3A_61 = tpu.memref_squeeze %dma_start3A_60 : memref<1x128x128xf32, #tpu.memory_space<vmem>> -> memref<128x128xf32, #tpu.memory_space<vmem>>
    %dma_start3A_62 = arith.constant 0 : i32
    %dma_start3A_63 = tpu.memref_slice %arg7[%dma_start3A_55, %dma_start3A_62] : memref<32x200xi32, #tpu.memory_space<vmem>> -> memref<1x128xi32, #tpu.memory_space<vmem>>
    %dma_start3A_64 = tpu.memref_squeeze %dma_start3A_63 : memref<1x128xi32, #tpu.memory_space<vmem>> -> memref<128xi32, #tpu.memory_space<vmem>>
    %dma_start3A_65 = arith.constant 0 : i32
    %dma_start3A_66 = arith.constant 0 : i32
    %dma_start3A_67 = tpu.memref_slice %arg2[%dma_start3A_65, %dma_start3A_66] : memref<100000x128xf32, #tpu.memory_space<hbm>> -> memref<100000x128xf32, #tpu.memory_space<hbm>>
    %dma_start3A_68 = tpu.memref_slice %arg12[%dma_start3A_57] : memref<4x!tpu.dma_semaphore, #tpu.memory_space<semaphore_mem>> -> memref<1x!tpu.dma_semaphore, #tpu.memory_space<semaphore_mem>>
    %dma_start3A_69 = tpu.memref_squeeze %dma_start3A_68 : memref<1x!tpu.dma_semaphore, #tpu.memory_space<semaphore_mem>> -> memref<!tpu.dma_semaphore, #tpu.memory_space<semaphore_mem>>
    tpu.enqueue_indirect_dma source(%dma_start3A_67 : memref<100000x128xf32, #tpu.memory_space<hbm>>) target(%dma_start3A_61 : memref<128x128xf32, #tpu.memory_space<vmem>>) offsets(%dma_start3A_64 : memref<128xi32, #tpu.memory_space<vmem>>) semaphore(%dma_start3A_69 : memref<!tpu.dma_semaphore, #tpu.memory_space<semaphore_mem>>)
    %dma_start3A_70 = arith.constant 1 : i32
    %dma_start3A_71 = arith.constant 1 : i32
    %dma_start3A_72 = arith.constant 1 : i32
    %dma_start3A_73 = arith.constant 128 : i32
    %dma_start3A_74 = arith.constant 0 : i32
    %dma_start3A_75 = tpu.memref_slice %arg10[%dma_start3A_71, %dma_start3A_73, %dma_start3A_74] : memref<4x200x128xf32, #tpu.memory_space<vmem>> -> memref<1x72x128xf32, #tpu.memory_space<vmem>>
    %dma_start3A_76 = tpu.memref_squeeze %dma_start3A_75 : memref<1x72x128xf32, #tpu.memory_space<vmem>> -> memref<72x128xf32, #tpu.memory_space<vmem>>
    %dma_start3A_77 = arith.constant 128 : i32
    %dma_start3A_78 = tpu.memref_slice %arg7[%dma_start3A_70, %dma_start3A_77] : memref<32x200xi32, #tpu.memory_space<vmem>> -> memref<1x72xi32, #tpu.memory_space<vmem>>
    %dma_start3A_79 = tpu.memref_squeeze %dma_start3A_78 : memref<1x72xi32, #tpu.memory_space<vmem>> -> memref<72xi32, #tpu.memory_space<vmem>>
    %dma_start3A_80 = arith.constant 0 : i32
    %dma_start3A_81 = arith.constant 0 : i32
    %dma_start3A_82 = tpu.memref_slice %arg2[%dma_start3A_80, %dma_start3A_81] : memref<100000x128xf32, #tpu.memory_space<hbm>> -> memref<100000x128xf32, #tpu.memory_space<hbm>>
    %dma_start3A_83 = tpu.memref_slice %arg12[%dma_start3A_72] : memref<4x!tpu.dma_semaphore, #tpu.memory_space<semaphore_mem>> -> memref<1x!tpu.dma_semaphore, #tpu.memory_space<semaphore_mem>>
    %dma_start3A_84 = tpu.memref_squeeze %dma_start3A_83 : memref<1x!tpu.dma_semaphore, #tpu.memory_space<semaphore_mem>> -> memref<!tpu.dma_semaphore, #tpu.memory_space<semaphore_mem>>
    tpu.enqueue_indirect_dma source(%dma_start3A_82 : memref<100000x128xf32, #tpu.memory_space<hbm>>) target(%dma_start3A_76 : memref<72x128xf32, #tpu.memory_space<vmem>>) offsets(%dma_start3A_79 : memref<72xi32, #tpu.memory_space<vmem>>) semaphore(%dma_start3A_84 : memref<!tpu.dma_semaphore, #tpu.memory_space<semaphore_mem>>)
    %add3A_85 = arith.constant 1 : i32
    %add3A_86 = arith.addi %mul3A_2, %add3A_85 : i32
    %dma_start3A_87 = arith.constant 1 : i32
    %dma_start3A_88 = arith.constant 1 : i32
    %dma_start3A_89 = arith.constant 0 : i32
    %dma_start3A_90 = arith.constant 0 : i32
    %dma_start3A_91 = tpu.memref_slice %arg9[%dma_start3A_87, %dma_start3A_89, %dma_start3A_90] : memref<4x8x128xf32, #tpu.memory_space<vmem>> -> memref<1x8x128xf32, #tpu.memory_space<vmem>>
    %dma_start3A_92 = tpu.memref_squeeze %dma_start3A_91 : memref<1x8x128xf32, #tpu.memory_space<vmem>> -> memref<8x128xf32, #tpu.memory_space<vmem>>
    %dma_start3A_93 = arith.constant 0 : i32
    %dma_start3A_94 = arith.constant 0 : i32
    %dma_start3A_95 = tpu.memref_slice %arg5[%add3A_86, %dma_start3A_93, %dma_start3A_94] : memref<1024x8x128xf32, #tpu.memory_space<hbm>> -> memref<1x8x128xf32, #tpu.memory_space<hbm>>
    %dma_start3A_96 = tpu.memref_squeeze %dma_start3A_95 : memref<1x8x128xf32, #tpu.memory_space<hbm>> -> memref<8x128xf32, #tpu.memory_space<hbm>>
    %dma_start3A_97 = tpu.memref_slice %arg12[%dma_start3A_88] : memref<4x!tpu.dma_semaphore, #tpu.memory_space<semaphore_mem>> -> memref<1x!tpu.dma_semaphore, #tpu.memory_space<semaphore_mem>>
    %dma_start3A_98 = tpu.memref_squeeze %dma_start3A_97 : memref<1x!tpu.dma_semaphore, #tpu.memory_space<semaphore_mem>> -> memref<!tpu.dma_semaphore, #tpu.memory_space<semaphore_mem>>
    %dma_start3A_99 = arith.constant 0 : i32
    %dma_start3A_100 = arith.constant 0 : i32
    %dma_start3A_101 = tpu.memref_slice %arg9[%dma_start3A_87, %dma_start3A_99, %dma_start3A_100] : memref<4x8x128xf32, #tpu.memory_space<vmem>> -> memref<1x8x128xf32, #tpu.memory_space<vmem>>
    %dma_start3A_102 = tpu.memref_squeeze %dma_start3A_101 : memref<1x8x128xf32, #tpu.memory_space<vmem>> -> memref<8x128xf32, #tpu.memory_space<vmem>>
    %dma_start3A_103 = arith.constant 0 : i32
    %dma_start3A_104 = arith.constant 0 : i32
    %dma_start3A_105 = tpu.memref_slice %arg5[%add3A_86, %dma_start3A_103, %dma_start3A_104] : memref<1024x8x128xf32, #tpu.memory_space<hbm>> -> memref<1x8x128xf32, #tpu.memory_space<hbm>>
    %dma_start3A_106 = tpu.memref_squeeze %dma_start3A_105 : memref<1x8x128xf32, #tpu.memory_space<hbm>> -> memref<8x128xf32, #tpu.memory_space<hbm>>
    tpu.enqueue_dma source(%dma_start3A_106 : memref<8x128xf32, #tpu.memory_space<hbm>>) target(%dma_start3A_102 : memref<8x128xf32, #tpu.memory_space<vmem>>) target_semaphore(%dma_start3A_98 : memref<!tpu.dma_semaphore, #tpu.memory_space<semaphore_mem>>)
    %scan3A = arith.constant 0 : i32
    %scan3A_107 = arith.constant 0 : i32
    %scan3A_108 = arith.constant 32 : i32
    %scan3A_109 = arith.addi %scan3A_107, %scan3A_108 : i32
    %scan3A_110 = arith.constant 1 : i32
    scf.for %scan3A_273 = %scan3A_107 to %scan3A_109 step %scan3A_110  : i32 {
      %rem3A_274 = arith.constant 4 : i32
      %rem3A_275 = arith.remsi %scan3A_273, %rem3A_274 : i32
      %add3A_276 = arith.constant 2 : i32
      %add3A_277 = arith.addi %scan3A_273, %add3A_276 : i32
      %lt3A = arith.constant 32 : i32
      %lt3A_278 = arith.cmpi slt, %add3A_277, %lt3A : i32
      %convert_element_type3A = arith.extui %lt3A_278 : i1 to i32
      %cond3A = arith.constant 0 : i32
      %cond3A_279 = arith.cmpi ne, %convert_element_type3A, %cond3A : i32
      scf.if %cond3A_279 {
        %add3A_918 = arith.constant 2 : i32
        %add3A_919 = arith.addi %scan3A_273, %add3A_918 : i32
        %rem3A_920 = arith.constant 4 : i32
        %rem3A_921 = arith.remsi %add3A_919, %rem3A_920 : i32
        %add3A_922 = arith.constant 2 : i32
        %add3A_923 = arith.addi %scan3A_273, %add3A_922 : i32
        %ge3A_924 = arith.constant 4 : i32
        %ge3A_925 = arith.cmpi sge, %add3A_923, %ge3A_924 : i32
        %convert_element_type3A_926 = arith.extui %ge3A_925 : i1 to i32
        %cond3A_927 = arith.constant 0 : i32
        %cond3A_928 = arith.cmpi ne, %convert_element_type3A_926, %cond3A_927 : i32
        scf.if %cond3A_928 {
          %dma_wait3A_974 = arith.constant 0 : i32
          %dma_wait3A_975 = arith.constant 56 : i32
          %dma_wait3A_976 = arith.constant 0 : i32
          %dma_wait3A_977 = tpu.memref_slice %arg10[%rem3A_921, %dma_wait3A_975, %dma_wait3A_976] : memref<4x200x128xf32, #tpu.memory_space<vmem>> -> memref<1x144x128xf32, #tpu.memory_space<vmem>>
          %dma_wait3A_978 = tpu.memref_squeeze %dma_wait3A_977 : memref<1x144x128xf32, #tpu.memory_space<vmem>> -> memref<144x128xf32, #tpu.memory_space<vmem>>
          %dma_wait3A_979 = arith.constant 56 : i32
          %dma_wait3A_980 = arith.constant 0 : i32
          %dma_wait3A_981 = tpu.memref_slice %arg6[%dma_wait3A_974, %dma_wait3A_979, %dma_wait3A_980] : memref<1024x200x128xf32, #tpu.memory_space<hbm>> -> memref<1x144x128xf32, #tpu.memory_space<hbm>>
          %dma_wait3A_982 = tpu.memref_squeeze %dma_wait3A_981 : memref<1x144x128xf32, #tpu.memory_space<hbm>> -> memref<144x128xf32, #tpu.memory_space<hbm>>
          %dma_wait3A_983 = tpu.memref_slice %arg13[%rem3A_921] : memref<4x!tpu.dma_semaphore, #tpu.memory_space<semaphore_mem>> -> memref<1x!tpu.dma_semaphore, #tpu.memory_space<semaphore_mem>>
          %dma_wait3A_984 = tpu.memref_squeeze %dma_wait3A_983 : memref<1x!tpu.dma_semaphore, #tpu.memory_space<semaphore_mem>> -> memref<!tpu.dma_semaphore, #tpu.memory_space<semaphore_mem>>
          %dma_wait3A_985 = arith.constant 56 : i32
          %dma_wait3A_986 = arith.constant 0 : i32
          %dma_wait3A_987 = tpu.memref_slice %arg6[%dma_wait3A_974, %dma_wait3A_985, %dma_wait3A_986] : memref<1024x200x128xf32, #tpu.memory_space<hbm>> -> memref<1x144x128xf32, #tpu.memory_space<hbm>>
          %dma_wait3A_988 = tpu.memref_squeeze %dma_wait3A_987 : memref<1x144x128xf32, #tpu.memory_space<hbm>> -> memref<144x128xf32, #tpu.memory_space<hbm>>
          %dma_wait3A_989 = arith.constant 56 : i32
          %dma_wait3A_990 = arith.constant 0 : i32
          %dma_wait3A_991 = tpu.memref_slice %arg10[%rem3A_921, %dma_wait3A_989, %dma_wait3A_990] : memref<4x200x128xf32, #tpu.memory_space<vmem>> -> memref<1x144x128xf32, #tpu.memory_space<vmem>>
          %dma_wait3A_992 = tpu.memref_squeeze %dma_wait3A_991 : memref<1x144x128xf32, #tpu.memory_space<vmem>> -> memref<144x128xf32, #tpu.memory_space<vmem>>
          tpu.wait_dma2 semaphore(%dma_wait3A_984 : memref<!tpu.dma_semaphore, #tpu.memory_space<semaphore_mem>>) src(%dma_wait3A_992 : memref<144x128xf32, #tpu.memory_space<vmem>>) dst(%dma_wait3A_988 : memref<144x128xf32, #tpu.memory_space<hbm>>)
        } else {
        }
        %add3A_929 = arith.constant 2 : i32
        %add3A_930 = arith.addi %scan3A_273, %add3A_929 : i32
        %dma_start3A_931 = arith.constant 0 : i32
        %dma_start3A_932 = arith.constant 0 : i32
        %dma_start3A_933 = tpu.memref_slice %arg10[%rem3A_921, %dma_start3A_931, %dma_start3A_932] : memref<4x200x128xf32, #tpu.memory_space<vmem>> -> memref<1x128x128xf32, #tpu.memory_space<vmem>>
        %dma_start3A_934 = tpu.memref_squeeze %dma_start3A_933 : memref<1x128x128xf32, #tpu.memory_space<vmem>> -> memref<128x128xf32, #tpu.memory_space<vmem>>
        %dma_start3A_935 = arith.constant 0 : i32
        %dma_start3A_936 = tpu.memref_slice %arg7[%add3A_930, %dma_start3A_935] : memref<32x200xi32, #tpu.memory_space<vmem>> -> memref<1x128xi32, #tpu.memory_space<vmem>>
        %dma_start3A_937 = tpu.memref_squeeze %dma_start3A_936 : memref<1x128xi32, #tpu.memory_space<vmem>> -> memref<128xi32, #tpu.memory_space<vmem>>
        %dma_start3A_938 = arith.constant 0 : i32
        %dma_start3A_939 = arith.constant 0 : i32
        %dma_start3A_940 = tpu.memref_slice %arg2[%dma_start3A_938, %dma_start3A_939] : memref<100000x128xf32, #tpu.memory_space<hbm>> -> memref<100000x128xf32, #tpu.memory_space<hbm>>
        %dma_start3A_941 = tpu.memref_slice %arg12[%rem3A_921] : memref<4x!tpu.dma_semaphore, #tpu.memory_space<semaphore_mem>> -> memref<1x!tpu.dma_semaphore, #tpu.memory_space<semaphore_mem>>
        %dma_start3A_942 = tpu.memref_squeeze %dma_start3A_941 : memref<1x!tpu.dma_semaphore, #tpu.memory_space<semaphore_mem>> -> memref<!tpu.dma_semaphore, #tpu.memory_space<semaphore_mem>>
        tpu.enqueue_indirect_dma source(%dma_start3A_940 : memref<100000x128xf32, #tpu.memory_space<hbm>>) target(%dma_start3A_934 : memref<128x128xf32, #tpu.memory_space<vmem>>) offsets(%dma_start3A_937 : memref<128xi32, #tpu.memory_space<vmem>>) semaphore(%dma_start3A_942 : memref<!tpu.dma_semaphore, #tpu.memory_space<semaphore_mem>>)
        %dma_start3A_943 = arith.constant 128 : i32
        %dma_start3A_944 = arith.constant 0 : i32
        %dma_start3A_945 = tpu.memref_slice %arg10[%rem3A_921, %dma_start3A_943, %dma_start3A_944] : memref<4x200x128xf32, #tpu.memory_space<vmem>> -> memref<1x72x128xf32, #tpu.memory_space<vmem>>
        %dma_start3A_946 = tpu.memref_squeeze %dma_start3A_945 : memref<1x72x128xf32, #tpu.memory_space<vmem>> -> memref<72x128xf32, #tpu.memory_space<vmem>>
        %dma_start3A_947 = arith.constant 128 : i32
        %dma_start3A_948 = tpu.memref_slice %arg7[%add3A_930, %dma_start3A_947] : memref<32x200xi32, #tpu.memory_space<vmem>> -> memref<1x72xi32, #tpu.memory_space<vmem>>
        %dma_start3A_949 = tpu.memref_squeeze %dma_start3A_948 : memref<1x72xi32, #tpu.memory_space<vmem>> -> memref<72xi32, #tpu.memory_space<vmem>>
        %dma_start3A_950 = arith.constant 0 : i32
        %dma_start3A_951 = arith.constant 0 : i32
        %dma_start3A_952 = tpu.memref_slice %arg2[%dma_start3A_950, %dma_start3A_951] : memref<100000x128xf32, #tpu.memory_space<hbm>> -> memref<100000x128xf32, #tpu.memory_space<hbm>>
        %dma_start3A_953 = tpu.memref_slice %arg12[%rem3A_921] : memref<4x!tpu.dma_semaphore, #tpu.memory_space<semaphore_mem>> -> memref<1x!tpu.dma_semaphore, #tpu.memory_space<semaphore_mem>>
        %dma_start3A_954 = tpu.memref_squeeze %dma_start3A_953 : memref<1x!tpu.dma_semaphore, #tpu.memory_space<semaphore_mem>> -> memref<!tpu.dma_semaphore, #tpu.memory_space<semaphore_mem>>
        tpu.enqueue_indirect_dma source(%dma_start3A_952 : memref<100000x128xf32, #tpu.memory_space<hbm>>) target(%dma_start3A_946 : memref<72x128xf32, #tpu.memory_space<vmem>>) offsets(%dma_start3A_949 : memref<72xi32, #tpu.memory_space<vmem>>) semaphore(%dma_start3A_954 : memref<!tpu.dma_semaphore, #tpu.memory_space<semaphore_mem>>)
        %add3A_955 = arith.addi %mul3A_2, %add3A_930 : i32
        %dma_start3A_956 = arith.constant 0 : i32
        %dma_start3A_957 = arith.constant 0 : i32
        %dma_start3A_958 = tpu.memref_slice %arg9[%rem3A_921, %dma_start3A_956, %dma_start3A_957] : memref<4x8x128xf32, #tpu.memory_space<vmem>> -> memref<1x8x128xf32, #tpu.memory_space<vmem>>
        %dma_start3A_959 = tpu.memref_squeeze %dma_start3A_958 : memref<1x8x128xf32, #tpu.memory_space<vmem>> -> memref<8x128xf32, #tpu.memory_space<vmem>>
        %dma_start3A_960 = arith.constant 0 : i32
        %dma_start3A_961 = arith.constant 0 : i32
        %dma_start3A_962 = tpu.memref_slice %arg5[%add3A_955, %dma_start3A_960, %dma_start3A_961] : memref<1024x8x128xf32, #tpu.memory_space<hbm>> -> memref<1x8x128xf32, #tpu.memory_space<hbm>>
        %dma_start3A_963 = tpu.memref_squeeze %dma_start3A_962 : memref<1x8x128xf32, #tpu.memory_space<hbm>> -> memref<8x128xf32, #tpu.memory_space<hbm>>
        %dma_start3A_964 = tpu.memref_slice %arg12[%rem3A_921] : memref<4x!tpu.dma_semaphore, #tpu.memory_space<semaphore_mem>> -> memref<1x!tpu.dma_semaphore, #tpu.memory_space<semaphore_mem>>
        %dma_start3A_965 = tpu.memref_squeeze %dma_start3A_964 : memref<1x!tpu.dma_semaphore, #tpu.memory_space<semaphore_mem>> -> memref<!tpu.dma_semaphore, #tpu.memory_space<semaphore_mem>>
        %dma_start3A_966 = arith.constant 0 : i32
        %dma_start3A_967 = arith.constant 0 : i32
        %dma_start3A_968 = tpu.memref_slice %arg9[%rem3A_921, %dma_start3A_966, %dma_start3A_967] : memref<4x8x128xf32, #tpu.memory_space<vmem>> -> memref<1x8x128xf32, #tpu.memory_space<vmem>>
        %dma_start3A_969 = tpu.memref_squeeze %dma_start3A_968 : memref<1x8x128xf32, #tpu.memory_space<vmem>> -> memref<8x128xf32, #tpu.memory_space<vmem>>
        %dma_start3A_970 = arith.constant 0 : i32
        %dma_start3A_971 = arith.constant 0 : i32
        %dma_start3A_972 = tpu.memref_slice %arg5[%add3A_955, %dma_start3A_970, %dma_start3A_971] : memref<1024x8x128xf32, #tpu.memory_space<hbm>> -> memref<1x8x128xf32, #tpu.memory_space<hbm>>
        %dma_start3A_973 = tpu.memref_squeeze %dma_start3A_972 : memref<1x8x128xf32, #tpu.memory_space<hbm>> -> memref<8x128xf32, #tpu.memory_space<hbm>>
        tpu.enqueue_dma source(%dma_start3A_973 : memref<8x128xf32, #tpu.memory_space<hbm>>) target(%dma_start3A_969 : memref<8x128xf32, #tpu.memory_space<vmem>>) target_semaphore(%dma_start3A_965 : memref<!tpu.dma_semaphore, #tpu.memory_space<semaphore_mem>>)
      } else {
      }
      %dma_wait3A_280 = arith.constant 0 : i32
      %dma_wait3A_281 = arith.constant 0 : i32
      %dma_wait3A_282 = tpu.memref_slice %arg10[%rem3A_275, %dma_wait3A_280, %dma_wait3A_281] : memref<4x200x128xf32, #tpu.memory_space<vmem>> -> memref<1x128x128xf32, #tpu.memory_space<vmem>>
      %dma_wait3A_283 = tpu.memref_squeeze %dma_wait3A_282 : memref<1x128x128xf32, #tpu.memory_space<vmem>> -> memref<128x128xf32, #tpu.memory_space<vmem>>
      %dma_wait3A_284 = arith.constant 0 : i32
      %dma_wait3A_285 = arith.constant 0 : i32
      %dma_wait3A_286 = tpu.memref_slice %arg2[%dma_wait3A_284, %dma_wait3A_285] : memref<100000x128xf32, #tpu.memory_space<hbm>> -> memref<128x128xf32, #tpu.memory_space<hbm>>
      %dma_wait3A_287 = tpu.memref_slice %arg12[%rem3A_275] : memref<4x!tpu.dma_semaphore, #tpu.memory_space<semaphore_mem>> -> memref<1x!tpu.dma_semaphore, #tpu.memory_space<semaphore_mem>>
      %dma_wait3A_288 = tpu.memref_squeeze %dma_wait3A_287 : memref<1x!tpu.dma_semaphore, #tpu.memory_space<semaphore_mem>> -> memref<!tpu.dma_semaphore, #tpu.memory_space<semaphore_mem>>
      %dma_wait3A_289 = arith.constant 0 : i32
      %dma_wait3A_290 = arith.constant 0 : i32
      %dma_wait3A_291 = tpu.memref_slice %arg10[%rem3A_275, %dma_wait3A_289, %dma_wait3A_290] : memref<4x200x128xf32, #tpu.memory_space<vmem>> -> memref<1x128x128xf32, #tpu.memory_space<vmem>>
      %dma_wait3A_292 = tpu.memref_squeeze %dma_wait3A_291 : memref<1x128x128xf32, #tpu.memory_space<vmem>> -> memref<128x128xf32, #tpu.memory_space<vmem>>
      %dma_wait3A_293 = arith.constant 0 : i32
      %dma_wait3A_294 = arith.constant 0 : i32
      %dma_wait3A_295 = tpu.memref_slice %arg2[%dma_wait3A_293, %dma_wait3A_294] : memref<100000x128xf32, #tpu.memory_space<hbm>> -> memref<128x128xf32, #tpu.memory_space<hbm>>
      tpu.wait_dma2 semaphore(%dma_wait3A_288 : memref<!tpu.dma_semaphore, #tpu.memory_space<semaphore_mem>>) src(%dma_wait3A_295 : memref<128x128xf32, #tpu.memory_space<hbm>>) dst(%dma_wait3A_292 : memref<128x128xf32, #tpu.memory_space<vmem>>)
      %dma_wait3A_296 = arith.constant 128 : i32
      %dma_wait3A_297 = arith.constant 0 : i32
      %dma_wait3A_298 = tpu.memref_slice %arg10[%rem3A_275, %dma_wait3A_296, %dma_wait3A_297] : memref<4x200x128xf32, #tpu.memory_space<vmem>> -> memref<1x72x128xf32, #tpu.memory_space<vmem>>
      %dma_wait3A_299 = tpu.memref_squeeze %dma_wait3A_298 : memref<1x72x128xf32, #tpu.memory_space<vmem>> -> memref<72x128xf32, #tpu.memory_space<vmem>>
      %dma_wait3A_300 = arith.constant 0 : i32
      %dma_wait3A_301 = arith.constant 0 : i32
      %dma_wait3A_302 = tpu.memref_slice %arg2[%dma_wait3A_300, %dma_wait3A_301] : memref<100000x128xf32, #tpu.memory_space<hbm>> -> memref<72x128xf32, #tpu.memory_space<hbm>>
      %dma_wait3A_303 = tpu.memref_slice %arg12[%rem3A_275] : memref<4x!tpu.dma_semaphore, #tpu.memory_space<semaphore_mem>> -> memref<1x!tpu.dma_semaphore, #tpu.memory_space<semaphore_mem>>
      %dma_wait3A_304 = tpu.memref_squeeze %dma_wait3A_303 : memref<1x!tpu.dma_semaphore, #tpu.memory_space<semaphore_mem>> -> memref<!tpu.dma_semaphore, #tpu.memory_space<semaphore_mem>>
      %dma_wait3A_305 = arith.constant 128 : i32
      %dma_wait3A_306 = arith.constant 0 : i32
      %dma_wait3A_307 = tpu.memref_slice %arg10[%rem3A_275, %dma_wait3A_305, %dma_wait3A_306] : memref<4x200x128xf32, #tpu.memory_space<vmem>> -> memref<1x72x128xf32, #tpu.memory_space<vmem>>
      %dma_wait3A_308 = tpu.memref_squeeze %dma_wait3A_307 : memref<1x72x128xf32, #tpu.memory_space<vmem>> -> memref<72x128xf32, #tpu.memory_space<vmem>>
      %dma_wait3A_309 = arith.constant 0 : i32
      %dma_wait3A_310 = arith.constant 0 : i32
      %dma_wait3A_311 = tpu.memref_slice %arg2[%dma_wait3A_309, %dma_wait3A_310] : memref<100000x128xf32, #tpu.memory_space<hbm>> -> memref<72x128xf32, #tpu.memory_space<hbm>>
      tpu.wait_dma2 semaphore(%dma_wait3A_304 : memref<!tpu.dma_semaphore, #tpu.memory_space<semaphore_mem>>) src(%dma_wait3A_311 : memref<72x128xf32, #tpu.memory_space<hbm>>) dst(%dma_wait3A_308 : memref<72x128xf32, #tpu.memory_space<vmem>>)
      %dma_wait3A_312 = arith.constant 0 : i32
      %dma_wait3A_313 = arith.constant 0 : i32
      %dma_wait3A_314 = arith.constant 0 : i32
      %dma_wait3A_315 = tpu.memref_slice %arg9[%rem3A_275, %dma_wait3A_313, %dma_wait3A_314] : memref<4x8x128xf32, #tpu.memory_space<vmem>> -> memref<1x8x128xf32, #tpu.memory_space<vmem>>
      %dma_wait3A_316 = tpu.memref_squeeze %dma_wait3A_315 : memref<1x8x128xf32, #tpu.memory_space<vmem>> -> memref<8x128xf32, #tpu.memory_space<vmem>>
      %dma_wait3A_317 = arith.constant 0 : i32
      %dma_wait3A_318 = arith.constant 0 : i32
      %dma_wait3A_319 = tpu.memref_slice %arg5[%dma_wait3A_312, %dma_wait3A_317, %dma_wait3A_318] : memref<1024x8x128xf32, #tpu.memory_space<hbm>> -> memref<1x8x128xf32, #tpu.memory_space<hbm>>
      %dma_wait3A_320 = tpu.memref_squeeze %dma_wait3A_319 : memref<1x8x128xf32, #tpu.memory_space<hbm>> -> memref<8x128xf32, #tpu.memory_space<hbm>>
      %dma_wait3A_321 = tpu.memref_slice %arg12[%rem3A_275] : memref<4x!tpu.dma_semaphore, #tpu.memory_space<semaphore_mem>> -> memref<1x!tpu.dma_semaphore, #tpu.memory_space<semaphore_mem>>
      %dma_wait3A_322 = tpu.memref_squeeze %dma_wait3A_321 : memref<1x!tpu.dma_semaphore, #tpu.memory_space<semaphore_mem>> -> memref<!tpu.dma_semaphore, #tpu.memory_space<semaphore_mem>>
      %dma_wait3A_323 = arith.constant 0 : i32
      %dma_wait3A_324 = arith.constant 0 : i32
      %dma_wait3A_325 = tpu.memref_slice %arg9[%rem3A_275, %dma_wait3A_323, %dma_wait3A_324] : memref<4x8x128xf32, #tpu.memory_space<vmem>> -> memref<1x8x128xf32, #tpu.memory_space<vmem>>
      %dma_wait3A_326 = tpu.memref_squeeze %dma_wait3A_325 : memref<1x8x128xf32, #tpu.memory_space<vmem>> -> memref<8x128xf32, #tpu.memory_space<vmem>>
      %dma_wait3A_327 = arith.constant 0 : i32
      %dma_wait3A_328 = arith.constant 0 : i32
      %dma_wait3A_329 = tpu.memref_slice %arg5[%dma_wait3A_312, %dma_wait3A_327, %dma_wait3A_328] : memref<1024x8x128xf32, #tpu.memory_space<hbm>> -> memref<1x8x128xf32, #tpu.memory_space<hbm>>
      %dma_wait3A_330 = tpu.memref_squeeze %dma_wait3A_329 : memref<1x8x128xf32, #tpu.memory_space<hbm>> -> memref<8x128xf32, #tpu.memory_space<hbm>>
      tpu.wait_dma2 semaphore(%dma_wait3A_322 : memref<!tpu.dma_semaphore, #tpu.memory_space<semaphore_mem>>) src(%dma_wait3A_330 : memref<8x128xf32, #tpu.memory_space<hbm>>) dst(%dma_wait3A_326 : memref<8x128xf32, #tpu.memory_space<vmem>>)
      %add3A_331 = vector.broadcast %rem3A_275 : i32 to vector<16xi32>
      %add3A_332 = arith.addi %broadcast_in_dim3A_3, %add3A_331 : vector<16xi32>
      %add3A_333 = vector.broadcast %scan3A_273 : i32 to vector<16xi32>
      %add3A_334 = arith.addi %broadcast_in_dim3A_3, %add3A_333 : vector<16xi32>
      %gather3A = tpu.vector_load_idx %arg8[%add3A_334] : memref<32xi32, #tpu.memory_space<vmem>>[vector<16xi32>], vector<16xi32>,
      %add3A_335 = arith.constant 0 : i32
      %add3A_336 = vector.broadcast %add3A_335 : i32 to vector<16xi32>
      %add3A_337 = arith.addi %gather3A, %add3A_336 : vector<16xi32>
      %get3A = arith.constant 0 : i32
      %get3A_338 = arith.index_cast %rem3A_275 : i32 to index
      %get3A_339 = arith.index_cast %get3A : i32 to index
      %get3A_340 = arith.constant 0 : index
      %get3A_341 = tpu.vector_load %arg9[%get3A_338, %get3A_339, %get3A_340] {strides = array<i32>} : memref<4x8x128xf32, #tpu.memory_space<vmem>>, vector<16xf32>,
      %add3A_342 = arith.constant 0 : i32
      %add3A_343 = vector.broadcast %add3A_342 : i32 to vector<16xi32>
      %add3A_344 = arith.addi %iota3A, %add3A_343 : vector<16xi32>
      tpu.vector_store_idx %arg10[%add3A_332, %add3A_337, %add3A_344], %get3A_341 {add = true} : memref<4x200x128xf32, #tpu.memory_space<vmem>>[vector<16xi32>, vector<16xi32>, vector<16xi32>], vector<16xf32>,
      %get3A_345 = arith.constant 0 : i32
      %get3A_346 = arith.index_cast %rem3A_275 : i32 to index
      %get3A_347 = arith.index_cast %get3A_345 : i32 to index
      %get3A_348 = arith.constant 16 : index
      %get3A_349 = tpu.vector_load %arg9[%get3A_346, %get3A_347, %get3A_348] {strides = array<i32>} : memref<4x8x128xf32, #tpu.memory_space<vmem>>, vector<16xf32>,
      %add3A_350 = arith.constant 16 : i32
      %add3A_351 = vector.broadcast %add3A_350 : i32 to vector<16xi32>
      %add3A_352 = arith.addi %iota3A, %add3A_351 : vector<16xi32>
      tpu.vector_store_idx %arg10[%add3A_332, %add3A_337, %add3A_352], %get3A_349 {add = true} : memref<4x200x128xf32, #tpu.memory_space<vmem>>[vector<16xi32>, vector<16xi32>, vector<16xi32>], vector<16xf32>,
      %get3A_353 = arith.constant 0 : i32
      %get3A_354 = arith.index_cast %rem3A_275 : i32 to index
      %get3A_355 = arith.index_cast %get3A_353 : i32 to index
      %get3A_356 = arith.constant 32 : index
      %get3A_357 = tpu.vector_load %arg9[%get3A_354, %get3A_355, %get3A_356] {strides = array<i32>} : memref<4x8x128xf32, #tpu.memory_space<vmem>>, vector<16xf32>,
      %add3A_358 = arith.constant 32 : i32
      %add3A_359 = vector.broadcast %add3A_358 : i32 to vector<16xi32>
      %add3A_360 = arith.addi %iota3A, %add3A_359 : vector<16xi32>
      tpu.vector_store_idx %arg10[%add3A_332, %add3A_337, %add3A_360], %get3A_357 {add = true} : memref<4x200x128xf32, #tpu.memory_space<vmem>>[vector<16xi32>, vector<16xi32>, vector<16xi32>], vector<16xf32>,
      %get3A_361 = arith.constant 0 : i32
      %get3A_362 = arith.index_cast %rem3A_275 : i32 to index
      %get3A_363 = arith.index_cast %get3A_361 : i32 to index
      %get3A_364 = arith.constant 48 : index
      %get3A_365 = tpu.vector_load %arg9[%get3A_362, %get3A_363, %get3A_364] {strides = array<i32>} : memref<4x8x128xf32, #tpu.memory_space<vmem>>, vector<16xf32>,
      %add3A_366 = arith.constant 48 : i32
      %add3A_367 = vector.broadcast %add3A_366 : i32 to vector<16xi32>
      %add3A_368 = arith.addi %iota3A, %add3A_367 : vector<16xi32>
      tpu.vector_store_idx %arg10[%add3A_332, %add3A_337, %add3A_368], %get3A_365 {add = true} : memref<4x200x128xf32, #tpu.memory_space<vmem>>[vector<16xi32>, vector<16xi32>, vector<16xi32>], vector<16xf32>,
      %get3A_369 = arith.constant 0 : i32
      %get3A_370 = arith.index_cast %rem3A_275 : i32 to index
      %get3A_371 = arith.index_cast %get3A_369 : i32 to index
      %get3A_372 = arith.constant 64 : index
      %get3A_373 = tpu.vector_load %arg9[%get3A_370, %get3A_371, %get3A_372] {strides = array<i32>} : memref<4x8x128xf32, #tpu.memory_space<vmem>>, vector<16xf32>,
      %add3A_374 = arith.constant 64 : i32
      %add3A_375 = vector.broadcast %add3A_374 : i32 to vector<16xi32>
      %add3A_376 = arith.addi %iota3A, %add3A_375 : vector<16xi32>
      tpu.vector_store_idx %arg10[%add3A_332, %add3A_337, %add3A_376], %get3A_373 {add = true} : memref<4x200x128xf32, #tpu.memory_space<vmem>>[vector<16xi32>, vector<16xi32>, vector<16xi32>], vector<16xf32>,
      %get3A_377 = arith.constant 0 : i32
      %get3A_378 = arith.index_cast %rem3A_275 : i32 to index
      %get3A_379 = arith.index_cast %get3A_377 : i32 to index
      %get3A_380 = arith.constant 80 : index
      %get3A_381 = tpu.vector_load %arg9[%get3A_378, %get3A_379, %get3A_380] {strides = array<i32>} : memref<4x8x128xf32, #tpu.memory_space<vmem>>, vector<16xf32>,
      %add3A_382 = arith.constant 80 : i32
      %add3A_383 = vector.broadcast %add3A_382 : i32 to vector<16xi32>
      %add3A_384 = arith.addi %iota3A, %add3A_383 : vector<16xi32>
      tpu.vector_store_idx %arg10[%add3A_332, %add3A_337, %add3A_384], %get3A_381 {add = true} : memref<4x200x128xf32, #tpu.memory_space<vmem>>[vector<16xi32>, vector<16xi32>, vector<16xi32>], vector<16xf32>,
      %get3A_385 = arith.constant 0 : i32
      %get3A_386 = arith.index_cast %rem3A_275 : i32 to index
      %get3A_387 = arith.index_cast %get3A_385 : i32 to index
      %get3A_388 = arith.constant 96 : index
      %get3A_389 = tpu.vector_load %arg9[%get3A_386, %get3A_387, %get3A_388] {strides = array<i32>} : memref<4x8x128xf32, #tpu.memory_space<vmem>>, vector<16xf32>,
      %add3A_390 = arith.constant 96 : i32
      %add3A_391 = vector.broadcast %add3A_390 : i32 to vector<16xi32>
      %add3A_392 = arith.addi %iota3A, %add3A_391 : vector<16xi32>
      tpu.vector_store_idx %arg10[%add3A_332, %add3A_337, %add3A_392], %get3A_389 {add = true} : memref<4x200x128xf32, #tpu.memory_space<vmem>>[vector<16xi32>, vector<16xi32>, vector<16xi32>], vector<16xf32>,
      %get3A_393 = arith.constant 0 : i32
      %get3A_394 = arith.index_cast %rem3A_275 : i32 to index
      %get3A_395 = arith.index_cast %get3A_393 : i32 to index
      %get3A_396 = arith.constant 112 : index
      %get3A_397 = tpu.vector_load %arg9[%get3A_394, %get3A_395, %get3A_396] {strides = array<i32>} : memref<4x8x128xf32, #tpu.memory_space<vmem>>, vector<16xf32>,
      %add3A_398 = arith.constant 112 : i32
      %add3A_399 = vector.broadcast %add3A_398 : i32 to vector<16xi32>
      %add3A_400 = arith.addi %iota3A, %add3A_399 : vector<16xi32>
      tpu.vector_store_idx %arg10[%add3A_332, %add3A_337, %add3A_400], %get3A_397 {add = true} : memref<4x200x128xf32, #tpu.memory_space<vmem>>[vector<16xi32>, vector<16xi32>, vector<16xi32>], vector<16xf32>,
      %add3A_401 = arith.constant 1 : i32
      %add3A_402 = vector.broadcast %add3A_401 : i32 to vector<16xi32>
      %add3A_403 = arith.addi %gather3A, %add3A_402 : vector<16xi32>
      %get3A_404 = arith.constant 1 : i32
      %get3A_405 = arith.index_cast %rem3A_275 : i32 to index
      %get3A_406 = arith.index_cast %get3A_404 : i32 to index
      %get3A_407 = arith.constant 0 : index
      %get3A_408 = tpu.vector_load %arg9[%get3A_405, %get3A_406, %get3A_407] {strides = array<i32>} : memref<4x8x128xf32, #tpu.memory_space<vmem>>, vector<16xf32>,
      %add3A_409 = arith.constant 0 : i32
      %add3A_410 = vector.broadcast %add3A_409 : i32 to vector<16xi32>
      %add3A_411 = arith.addi %iota3A, %add3A_410 : vector<16xi32>
      tpu.vector_store_idx %arg10[%add3A_332, %add3A_403, %add3A_411], %get3A_408 {add = true} : memref<4x200x128xf32, #tpu.memory_space<vmem>>[vector<16xi32>, vector<16xi32>, vector<16xi32>], vector<16xf32>,
      %get3A_412 = arith.constant 1 : i32
      %get3A_413 = arith.index_cast %rem3A_275 : i32 to index
      %get3A_414 = arith.index_cast %get3A_412 : i32 to index
      %get3A_415 = arith.constant 16 : index
      %get3A_416 = tpu.vector_load %arg9[%get3A_413, %get3A_414, %get3A_415] {strides = array<i32>} : memref<4x8x128xf32, #tpu.memory_space<vmem>>, vector<16xf32>,
      %add3A_417 = arith.constant 16 : i32
      %add3A_418 = vector.broadcast %add3A_417 : i32 to vector<16xi32>
      %add3A_419 = arith.addi %iota3A, %add3A_418 : vector<16xi32>
      tpu.vector_store_idx %arg10[%add3A_332, %add3A_403, %add3A_419], %get3A_416 {add = true} : memref<4x200x128xf32, #tpu.memory_space<vmem>>[vector<16xi32>, vector<16xi32>, vector<16xi32>], vector<16xf32>,
      %get3A_420 = arith.constant 1 : i32
      %get3A_421 = arith.index_cast %rem3A_275 : i32 to index
      %get3A_422 = arith.index_cast %get3A_420 : i32 to index
      %get3A_423 = arith.constant 32 : index
      %get3A_424 = tpu.vector_load %arg9[%get3A_421, %get3A_422, %get3A_423] {strides = array<i32>} : memref<4x8x128xf32, #tpu.memory_space<vmem>>, vector<16xf32>,
      %add3A_425 = arith.constant 32 : i32
      %add3A_426 = vector.broadcast %add3A_425 : i32 to vector<16xi32>
      %add3A_427 = arith.addi %iota3A, %add3A_426 : vector<16xi32>
      tpu.vector_store_idx %arg10[%add3A_332, %add3A_403, %add3A_427], %get3A_424 {add = true} : memref<4x200x128xf32, #tpu.memory_space<vmem>>[vector<16xi32>, vector<16xi32>, vector<16xi32>], vector<16xf32>,
      %get3A_428 = arith.constant 1 : i32
      %get3A_429 = arith.index_cast %rem3A_275 : i32 to index
      %get3A_430 = arith.index_cast %get3A_428 : i32 to index
      %get3A_431 = arith.constant 48 : index
      %get3A_432 = tpu.vector_load %arg9[%get3A_429, %get3A_430, %get3A_431] {strides = array<i32>} : memref<4x8x128xf32, #tpu.memory_space<vmem>>, vector<16xf32>,
      %add3A_433 = arith.constant 48 : i32
      %add3A_434 = vector.broadcast %add3A_433 : i32 to vector<16xi32>
      %add3A_435 = arith.addi %iota3A, %add3A_434 : vector<16xi32>
      tpu.vector_store_idx %arg10[%add3A_332, %add3A_403, %add3A_435], %get3A_432 {add = true} : memref<4x200x128xf32, #tpu.memory_space<vmem>>[vector<16xi32>, vector<16xi32>, vector<16xi32>], vector<16xf32>,
      %get3A_436 = arith.constant 1 : i32
      %get3A_437 = arith.index_cast %rem3A_275 : i32 to index
      %get3A_438 = arith.index_cast %get3A_436 : i32 to index
      %get3A_439 = arith.constant 64 : index
      %get3A_440 = tpu.vector_load %arg9[%get3A_437, %get3A_438, %get3A_439] {strides = array<i32>} : memref<4x8x128xf32, #tpu.memory_space<vmem>>, vector<16xf32>,
      %add3A_441 = arith.constant 64 : i32
      %add3A_442 = vector.broadcast %add3A_441 : i32 to vector<16xi32>
      %add3A_443 = arith.addi %iota3A, %add3A_442 : vector<16xi32>
      tpu.vector_store_idx %arg10[%add3A_332, %add3A_403, %add3A_443], %get3A_440 {add = true} : memref<4x200x128xf32, #tpu.memory_space<vmem>>[vector<16xi32>, vector<16xi32>, vector<16xi32>], vector<16xf32>,
      %get3A_444 = arith.constant 1 : i32
      %get3A_445 = arith.index_cast %rem3A_275 : i32 to index
      %get3A_446 = arith.index_cast %get3A_444 : i32 to index
      %get3A_447 = arith.constant 80 : index
      %get3A_448 = tpu.vector_load %arg9[%get3A_445, %get3A_446, %get3A_447] {strides = array<i32>} : memref<4x8x128xf32, #tpu.memory_space<vmem>>, vector<16xf32>,
      %add3A_449 = arith.constant 80 : i32
      %add3A_450 = vector.broadcast %add3A_449 : i32 to vector<16xi32>
      %add3A_451 = arith.addi %iota3A, %add3A_450 : vector<16xi32>
      tpu.vector_store_idx %arg10[%add3A_332, %add3A_403, %add3A_451], %get3A_448 {add = true} : memref<4x200x128xf32, #tpu.memory_space<vmem>>[vector<16xi32>, vector<16xi32>, vector<16xi32>], vector<16xf32>,
      %get3A_452 = arith.constant 1 : i32
      %get3A_453 = arith.index_cast %rem3A_275 : i32 to index
      %get3A_454 = arith.index_cast %get3A_452 : i32 to index
      %get3A_455 = arith.constant 96 : index
      %get3A_456 = tpu.vector_load %arg9[%get3A_453, %get3A_454, %get3A_455] {strides = array<i32>} : memref<4x8x128xf32, #tpu.memory_space<vmem>>, vector<16xf32>,
      %add3A_457 = arith.constant 96 : i32
      %add3A_458 = vector.broadcast %add3A_457 : i32 to vector<16xi32>
      %add3A_459 = arith.addi %iota3A, %add3A_458 : vector<16xi32>
      tpu.vector_store_idx %arg10[%add3A_332, %add3A_403, %add3A_459], %get3A_456 {add = true} : memref<4x200x128xf32, #tpu.memory_space<vmem>>[vector<16xi32>, vector<16xi32>, vector<16xi32>], vector<16xf32>,
      %get3A_460 = arith.constant 1 : i32
      %get3A_461 = arith.index_cast %rem3A_275 : i32 to index
      %get3A_462 = arith.index_cast %get3A_460 : i32 to index
      %get3A_463 = arith.constant 112 : index
      %get3A_464 = tpu.vector_load %arg9[%get3A_461, %get3A_462, %get3A_463] {strides = array<i32>} : memref<4x8x128xf32, #tpu.memory_space<vmem>>, vector<16xf32>,
      %add3A_465 = arith.constant 112 : i32
      %add3A_466 = vector.broadcast %add3A_465 : i32 to vector<16xi32>
      %add3A_467 = arith.addi %iota3A, %add3A_466 : vector<16xi32>
      tpu.vector_store_idx %arg10[%add3A_332, %add3A_403, %add3A_467], %get3A_464 {add = true} : memref<4x200x128xf32, #tpu.memory_space<vmem>>[vector<16xi32>, vector<16xi32>, vector<16xi32>], vector<16xf32>,
      %add3A_468 = arith.constant 2 : i32
      %add3A_469 = vector.broadcast %add3A_468 : i32 to vector<16xi32>
      %add3A_470 = arith.addi %gather3A, %add3A_469 : vector<16xi32>
      %get3A_471 = arith.constant 2 : i32
      %get3A_472 = arith.index_cast %rem3A_275 : i32 to index
      %get3A_473 = arith.index_cast %get3A_471 : i32 to index
      %get3A_474 = arith.constant 0 : index
      %get3A_475 = tpu.vector_load %arg9[%get3A_472, %get3A_473, %get3A_474] {strides = array<i32>} : memref<4x8x128xf32, #tpu.memory_space<vmem>>, vector<16xf32>,
      %add3A_476 = arith.constant 0 : i32
      %add3A_477 = vector.broadcast %add3A_476 : i32 to vector<16xi32>
      %add3A_478 = arith.addi %iota3A, %add3A_477 : vector<16xi32>
      tpu.vector_store_idx %arg10[%add3A_332, %add3A_470, %add3A_478], %get3A_475 {add = true} : memref<4x200x128xf32, #tpu.memory_space<vmem>>[vector<16xi32>, vector<16xi32>, vector<16xi32>], vector<16xf32>,
      %get3A_479 = arith.constant 2 : i32
      %get3A_480 = arith.index_cast %rem3A_275 : i32 to index
      %get3A_481 = arith.index_cast %get3A_479 : i32 to index
      %get3A_482 = arith.constant 16 : index
      %get3A_483 = tpu.vector_load %arg9[%get3A_480, %get3A_481, %get3A_482] {strides = array<i32>} : memref<4x8x128xf32, #tpu.memory_space<vmem>>, vector<16xf32>,
      %add3A_484 = arith.constant 16 : i32
      %add3A_485 = vector.broadcast %add3A_484 : i32 to vector<16xi32>
      %add3A_486 = arith.addi %iota3A, %add3A_485 : vector<16xi32>
      tpu.vector_store_idx %arg10[%add3A_332, %add3A_470, %add3A_486], %get3A_483 {add = true} : memref<4x200x128xf32, #tpu.memory_space<vmem>>[vector<16xi32>, vector<16xi32>, vector<16xi32>], vector<16xf32>,
      %get3A_487 = arith.constant 2 : i32
      %get3A_488 = arith.index_cast %rem3A_275 : i32 to index
      %get3A_489 = arith.index_cast %get3A_487 : i32 to index
      %get3A_490 = arith.constant 32 : index
      %get3A_491 = tpu.vector_load %arg9[%get3A_488, %get3A_489, %get3A_490] {strides = array<i32>} : memref<4x8x128xf32, #tpu.memory_space<vmem>>, vector<16xf32>,
      %add3A_492 = arith.constant 32 : i32
      %add3A_493 = vector.broadcast %add3A_492 : i32 to vector<16xi32>
      %add3A_494 = arith.addi %iota3A, %add3A_493 : vector<16xi32>
      tpu.vector_store_idx %arg10[%add3A_332, %add3A_470, %add3A_494], %get3A_491 {add = true} : memref<4x200x128xf32, #tpu.memory_space<vmem>>[vector<16xi32>, vector<16xi32>, vector<16xi32>], vector<16xf32>,
      %get3A_495 = arith.constant 2 : i32
      %get3A_496 = arith.index_cast %rem3A_275 : i32 to index
      %get3A_497 = arith.index_cast %get3A_495 : i32 to index
      %get3A_498 = arith.constant 48 : index
      %get3A_499 = tpu.vector_load %arg9[%get3A_496, %get3A_497, %get3A_498] {strides = array<i32>} : memref<4x8x128xf32, #tpu.memory_space<vmem>>, vector<16xf32>,
      %add3A_500 = arith.constant 48 : i32
      %add3A_501 = vector.broadcast %add3A_500 : i32 to vector<16xi32>
      %add3A_502 = arith.addi %iota3A, %add3A_501 : vector<16xi32>
      tpu.vector_store_idx %arg10[%add3A_332, %add3A_470, %add3A_502], %get3A_499 {add = true} : memref<4x200x128xf32, #tpu.memory_space<vmem>>[vector<16xi32>, vector<16xi32>, vector<16xi32>], vector<16xf32>,
      %get3A_503 = arith.constant 2 : i32
      %get3A_504 = arith.index_cast %rem3A_275 : i32 to index
      %get3A_505 = arith.index_cast %get3A_503 : i32 to index
      %get3A_506 = arith.constant 64 : index
      %get3A_507 = tpu.vector_load %arg9[%get3A_504, %get3A_505, %get3A_506] {strides = array<i32>} : memref<4x8x128xf32, #tpu.memory_space<vmem>>, vector<16xf32>,
      %add3A_508 = arith.constant 64 : i32
      %add3A_509 = vector.broadcast %add3A_508 : i32 to vector<16xi32>
      %add3A_510 = arith.addi %iota3A, %add3A_509 : vector<16xi32>
      tpu.vector_store_idx %arg10[%add3A_332, %add3A_470, %add3A_510], %get3A_507 {add = true} : memref<4x200x128xf32, #tpu.memory_space<vmem>>[vector<16xi32>, vector<16xi32>, vector<16xi32>], vector<16xf32>,
      %get3A_511 = arith.constant 2 : i32
      %get3A_512 = arith.index_cast %rem3A_275 : i32 to index
      %get3A_513 = arith.index_cast %get3A_511 : i32 to index
      %get3A_514 = arith.constant 80 : index
      %get3A_515 = tpu.vector_load %arg9[%get3A_512, %get3A_513, %get3A_514] {strides = array<i32>} : memref<4x8x128xf32, #tpu.memory_space<vmem>>, vector<16xf32>,
      %add3A_516 = arith.constant 80 : i32
      %add3A_517 = vector.broadcast %add3A_516 : i32 to vector<16xi32>
      %add3A_518 = arith.addi %iota3A, %add3A_517 : vector<16xi32>
      tpu.vector_store_idx %arg10[%add3A_332, %add3A_470, %add3A_518], %get3A_515 {add = true} : memref<4x200x128xf32, #tpu.memory_space<vmem>>[vector<16xi32>, vector<16xi32>, vector<16xi32>], vector<16xf32>,
      %get3A_519 = arith.constant 2 : i32
      %get3A_520 = arith.index_cast %rem3A_275 : i32 to index
      %get3A_521 = arith.index_cast %get3A_519 : i32 to index
      %get3A_522 = arith.constant 96 : index
      %get3A_523 = tpu.vector_load %arg9[%get3A_520, %get3A_521, %get3A_522] {strides = array<i32>} : memref<4x8x128xf32, #tpu.memory_space<vmem>>, vector<16xf32>,
      %add3A_524 = arith.constant 96 : i32
      %add3A_525 = vector.broadcast %add3A_524 : i32 to vector<16xi32>
      %add3A_526 = arith.addi %iota3A, %add3A_525 : vector<16xi32>
      tpu.vector_store_idx %arg10[%add3A_332, %add3A_470, %add3A_526], %get3A_523 {add = true} : memref<4x200x128xf32, #tpu.memory_space<vmem>>[vector<16xi32>, vector<16xi32>, vector<16xi32>], vector<16xf32>,
      %get3A_527 = arith.constant 2 : i32
      %get3A_528 = arith.index_cast %rem3A_275 : i32 to index
      %get3A_529 = arith.index_cast %get3A_527 : i32 to index
      %get3A_530 = arith.constant 112 : index
      %get3A_531 = tpu.vector_load %arg9[%get3A_528, %get3A_529, %get3A_530] {strides = array<i32>} : memref<4x8x128xf32, #tpu.memory_space<vmem>>, vector<16xf32>,
      %add3A_532 = arith.constant 112 : i32
      %add3A_533 = vector.broadcast %add3A_532 : i32 to vector<16xi32>
      %add3A_534 = arith.addi %iota3A, %add3A_533 : vector<16xi32>
      tpu.vector_store_idx %arg10[%add3A_332, %add3A_470, %add3A_534], %get3A_531 {add = true} : memref<4x200x128xf32, #tpu.memory_space<vmem>>[vector<16xi32>, vector<16xi32>, vector<16xi32>], vector<16xf32>,
      %add3A_535 = arith.constant 3 : i32
      %add3A_536 = vector.broadcast %add3A_535 : i32 to vector<16xi32>
      %add3A_537 = arith.addi %gather3A, %add3A_536 : vector<16xi32>
      %get3A_538 = arith.constant 3 : i32
      %get3A_539 = arith.index_cast %rem3A_275 : i32 to index
      %get3A_540 = arith.index_cast %get3A_538 : i32 to index
      %get3A_541 = arith.constant 0 : index
      %get3A_542 = tpu.vector_load %arg9[%get3A_539, %get3A_540, %get3A_541] {strides = array<i32>} : memref<4x8x128xf32, #tpu.memory_space<vmem>>, vector<16xf32>,
      %add3A_543 = arith.constant 0 : i32
      %add3A_544 = vector.broadcast %add3A_543 : i32 to vector<16xi32>
      %add3A_545 = arith.addi %iota3A, %add3A_544 : vector<16xi32>
      tpu.vector_store_idx %arg10[%add3A_332, %add3A_537, %add3A_545], %get3A_542 {add = true} : memref<4x200x128xf32, #tpu.memory_space<vmem>>[vector<16xi32>, vector<16xi32>, vector<16xi32>], vector<16xf32>,
      %get3A_546 = arith.constant 3 : i32
      %get3A_547 = arith.index_cast %rem3A_275 : i32 to index
      %get3A_548 = arith.index_cast %get3A_546 : i32 to index
      %get3A_549 = arith.constant 16 : index
      %get3A_550 = tpu.vector_load %arg9[%get3A_547, %get3A_548, %get3A_549] {strides = array<i32>} : memref<4x8x128xf32, #tpu.memory_space<vmem>>, vector<16xf32>,
      %add3A_551 = arith.constant 16 : i32
      %add3A_552 = vector.broadcast %add3A_551 : i32 to vector<16xi32>
      %add3A_553 = arith.addi %iota3A, %add3A_552 : vector<16xi32>
      tpu.vector_store_idx %arg10[%add3A_332, %add3A_537, %add3A_553], %get3A_550 {add = true} : memref<4x200x128xf32, #tpu.memory_space<vmem>>[vector<16xi32>, vector<16xi32>, vector<16xi32>], vector<16xf32>,
      %get3A_554 = arith.constant 3 : i32
      %get3A_555 = arith.index_cast %rem3A_275 : i32 to index
      %get3A_556 = arith.index_cast %get3A_554 : i32 to index
      %get3A_557 = arith.constant 32 : index
      %get3A_558 = tpu.vector_load %arg9[%get3A_555, %get3A_556, %get3A_557] {strides = array<i32>} : memref<4x8x128xf32, #tpu.memory_space<vmem>>, vector<16xf32>,
      %add3A_559 = arith.constant 32 : i32
      %add3A_560 = vector.broadcast %add3A_559 : i32 to vector<16xi32>
      %add3A_561 = arith.addi %iota3A, %add3A_560 : vector<16xi32>
      tpu.vector_store_idx %arg10[%add3A_332, %add3A_537, %add3A_561], %get3A_558 {add = true} : memref<4x200x128xf32, #tpu.memory_space<vmem>>[vector<16xi32>, vector<16xi32>, vector<16xi32>], vector<16xf32>,
      %get3A_562 = arith.constant 3 : i32
      %get3A_563 = arith.index_cast %rem3A_275 : i32 to index
      %get3A_564 = arith.index_cast %get3A_562 : i32 to index
      %get3A_565 = arith.constant 48 : index
      %get3A_566 = tpu.vector_load %arg9[%get3A_563, %get3A_564, %get3A_565] {strides = array<i32>} : memref<4x8x128xf32, #tpu.memory_space<vmem>>, vector<16xf32>,
      %add3A_567 = arith.constant 48 : i32
      %add3A_568 = vector.broadcast %add3A_567 : i32 to vector<16xi32>
      %add3A_569 = arith.addi %iota3A, %add3A_568 : vector<16xi32>
      tpu.vector_store_idx %arg10[%add3A_332, %add3A_537, %add3A_569], %get3A_566 {add = true} : memref<4x200x128xf32, #tpu.memory_space<vmem>>[vector<16xi32>, vector<16xi32>, vector<16xi32>], vector<16xf32>,
      %get3A_570 = arith.constant 3 : i32
      %get3A_571 = arith.index_cast %rem3A_275 : i32 to index
      %get3A_572 = arith.index_cast %get3A_570 : i32 to index
      %get3A_573 = arith.constant 64 : index
      %get3A_574 = tpu.vector_load %arg9[%get3A_571, %get3A_572, %get3A_573] {strides = array<i32>} : memref<4x8x128xf32, #tpu.memory_space<vmem>>, vector<16xf32>,
      %add3A_575 = arith.constant 64 : i32
      %add3A_576 = vector.broadcast %add3A_575 : i32 to vector<16xi32>
      %add3A_577 = arith.addi %iota3A, %add3A_576 : vector<16xi32>
      tpu.vector_store_idx %arg10[%add3A_332, %add3A_537, %add3A_577], %get3A_574 {add = true} : memref<4x200x128xf32, #tpu.memory_space<vmem>>[vector<16xi32>, vector<16xi32>, vector<16xi32>], vector<16xf32>,
      %get3A_578 = arith.constant 3 : i32
      %get3A_579 = arith.index_cast %rem3A_275 : i32 to index
      %get3A_580 = arith.index_cast %get3A_578 : i32 to index
      %get3A_581 = arith.constant 80 : index
      %get3A_582 = tpu.vector_load %arg9[%get3A_579, %get3A_580, %get3A_581] {strides = array<i32>} : memref<4x8x128xf32, #tpu.memory_space<vmem>>, vector<16xf32>,
      %add3A_583 = arith.constant 80 : i32
      %add3A_584 = vector.broadcast %add3A_583 : i32 to vector<16xi32>
      %add3A_585 = arith.addi %iota3A, %add3A_584 : vector<16xi32>
      tpu.vector_store_idx %arg10[%add3A_332, %add3A_537, %add3A_585], %get3A_582 {add = true} : memref<4x200x128xf32, #tpu.memory_space<vmem>>[vector<16xi32>, vector<16xi32>, vector<16xi32>], vector<16xf32>,
      %get3A_586 = arith.constant 3 : i32
      %get3A_587 = arith.index_cast %rem3A_275 : i32 to index
      %get3A_588 = arith.index_cast %get3A_586 : i32 to index
      %get3A_589 = arith.constant 96 : index
      %get3A_590 = tpu.vector_load %arg9[%get3A_587, %get3A_588, %get3A_589] {strides = array<i32>} : memref<4x8x128xf32, #tpu.memory_space<vmem>>, vector<16xf32>,
      %add3A_591 = arith.constant 96 : i32
      %add3A_592 = vector.broadcast %add3A_591 : i32 to vector<16xi32>
      %add3A_593 = arith.addi %iota3A, %add3A_592 : vector<16xi32>
      tpu.vector_store_idx %arg10[%add3A_332, %add3A_537, %add3A_593], %get3A_590 {add = true} : memref<4x200x128xf32, #tpu.memory_space<vmem>>[vector<16xi32>, vector<16xi32>, vector<16xi32>], vector<16xf32>,
      %get3A_594 = arith.constant 3 : i32
      %get3A_595 = arith.index_cast %rem3A_275 : i32 to index
      %get3A_596 = arith.index_cast %get3A_594 : i32 to index
      %get3A_597 = arith.constant 112 : index
      %get3A_598 = tpu.vector_load %arg9[%get3A_595, %get3A_596, %get3A_597] {strides = array<i32>} : memref<4x8x128xf32, #tpu.memory_space<vmem>>, vector<16xf32>,
      %add3A_599 = arith.constant 112 : i32
      %add3A_600 = vector.broadcast %add3A_599 : i32 to vector<16xi32>
      %add3A_601 = arith.addi %iota3A, %add3A_600 : vector<16xi32>
      tpu.vector_store_idx %arg10[%add3A_332, %add3A_537, %add3A_601], %get3A_598 {add = true} : memref<4x200x128xf32, #tpu.memory_space<vmem>>[vector<16xi32>, vector<16xi32>, vector<16xi32>], vector<16xf32>,
      %add3A_602 = arith.constant 4 : i32
      %add3A_603 = vector.broadcast %add3A_602 : i32 to vector<16xi32>
      %add3A_604 = arith.addi %gather3A, %add3A_603 : vector<16xi32>
      %get3A_605 = arith.constant 4 : i32
      %get3A_606 = arith.index_cast %rem3A_275 : i32 to index
      %get3A_607 = arith.index_cast %get3A_605 : i32 to index
      %get3A_608 = arith.constant 0 : index
      %get3A_609 = tpu.vector_load %arg9[%get3A_606, %get3A_607, %get3A_608] {strides = array<i32>} : memref<4x8x128xf32, #tpu.memory_space<vmem>>, vector<16xf32>,
      %add3A_610 = arith.constant 0 : i32
      %add3A_611 = vector.broadcast %add3A_610 : i32 to vector<16xi32>
      %add3A_612 = arith.addi %iota3A, %add3A_611 : vector<16xi32>
      tpu.vector_store_idx %arg10[%add3A_332, %add3A_604, %add3A_612], %get3A_609 {add = true} : memref<4x200x128xf32, #tpu.memory_space<vmem>>[vector<16xi32>, vector<16xi32>, vector<16xi32>], vector<16xf32>,
      %get3A_613 = arith.constant 4 : i32
      %get3A_614 = arith.index_cast %rem3A_275 : i32 to index
      %get3A_615 = arith.index_cast %get3A_613 : i32 to index
      %get3A_616 = arith.constant 16 : index
      %get3A_617 = tpu.vector_load %arg9[%get3A_614, %get3A_615, %get3A_616] {strides = array<i32>} : memref<4x8x128xf32, #tpu.memory_space<vmem>>, vector<16xf32>,
      %add3A_618 = arith.constant 16 : i32
      %add3A_619 = vector.broadcast %add3A_618 : i32 to vector<16xi32>
      %add3A_620 = arith.addi %iota3A, %add3A_619 : vector<16xi32>
      tpu.vector_store_idx %arg10[%add3A_332, %add3A_604, %add3A_620], %get3A_617 {add = true} : memref<4x200x128xf32, #tpu.memory_space<vmem>>[vector<16xi32>, vector<16xi32>, vector<16xi32>], vector<16xf32>,
      %get3A_621 = arith.constant 4 : i32
      %get3A_622 = arith.index_cast %rem3A_275 : i32 to index
      %get3A_623 = arith.index_cast %get3A_621 : i32 to index
      %get3A_624 = arith.constant 32 : index
      %get3A_625 = tpu.vector_load %arg9[%get3A_622, %get3A_623, %get3A_624] {strides = array<i32>} : memref<4x8x128xf32, #tpu.memory_space<vmem>>, vector<16xf32>,
      %add3A_626 = arith.constant 32 : i32
      %add3A_627 = vector.broadcast %add3A_626 : i32 to vector<16xi32>
      %add3A_628 = arith.addi %iota3A, %add3A_627 : vector<16xi32>
      tpu.vector_store_idx %arg10[%add3A_332, %add3A_604, %add3A_628], %get3A_625 {add = true} : memref<4x200x128xf32, #tpu.memory_space<vmem>>[vector<16xi32>, vector<16xi32>, vector<16xi32>], vector<16xf32>,
      %get3A_629 = arith.constant 4 : i32
      %get3A_630 = arith.index_cast %rem3A_275 : i32 to index
      %get3A_631 = arith.index_cast %get3A_629 : i32 to index
      %get3A_632 = arith.constant 48 : index
      %get3A_633 = tpu.vector_load %arg9[%get3A_630, %get3A_631, %get3A_632] {strides = array<i32>} : memref<4x8x128xf32, #tpu.memory_space<vmem>>, vector<16xf32>,
      %add3A_634 = arith.constant 48 : i32
      %add3A_635 = vector.broadcast %add3A_634 : i32 to vector<16xi32>
      %add3A_636 = arith.addi %iota3A, %add3A_635 : vector<16xi32>
      tpu.vector_store_idx %arg10[%add3A_332, %add3A_604, %add3A_636], %get3A_633 {add = true} : memref<4x200x128xf32, #tpu.memory_space<vmem>>[vector<16xi32>, vector<16xi32>, vector<16xi32>], vector<16xf32>,
      %get3A_637 = arith.constant 4 : i32
      %get3A_638 = arith.index_cast %rem3A_275 : i32 to index
      %get3A_639 = arith.index_cast %get3A_637 : i32 to index
      %get3A_640 = arith.constant 64 : index
      %get3A_641 = tpu.vector_load %arg9[%get3A_638, %get3A_639, %get3A_640] {strides = array<i32>} : memref<4x8x128xf32, #tpu.memory_space<vmem>>, vector<16xf32>,
      %add3A_642 = arith.constant 64 : i32
      %add3A_643 = vector.broadcast %add3A_642 : i32 to vector<16xi32>
      %add3A_644 = arith.addi %iota3A, %add3A_643 : vector<16xi32>
      tpu.vector_store_idx %arg10[%add3A_332, %add3A_604, %add3A_644], %get3A_641 {add = true} : memref<4x200x128xf32, #tpu.memory_space<vmem>>[vector<16xi32>, vector<16xi32>, vector<16xi32>], vector<16xf32>,
      %get3A_645 = arith.constant 4 : i32
      %get3A_646 = arith.index_cast %rem3A_275 : i32 to index
      %get3A_647 = arith.index_cast %get3A_645 : i32 to index
      %get3A_648 = arith.constant 80 : index
      %get3A_649 = tpu.vector_load %arg9[%get3A_646, %get3A_647, %get3A_648] {strides = array<i32>} : memref<4x8x128xf32, #tpu.memory_space<vmem>>, vector<16xf32>,
      %add3A_650 = arith.constant 80 : i32
      %add3A_651 = vector.broadcast %add3A_650 : i32 to vector<16xi32>
      %add3A_652 = arith.addi %iota3A, %add3A_651 : vector<16xi32>
      tpu.vector_store_idx %arg10[%add3A_332, %add3A_604, %add3A_652], %get3A_649 {add = true} : memref<4x200x128xf32, #tpu.memory_space<vmem>>[vector<16xi32>, vector<16xi32>, vector<16xi32>], vector<16xf32>,
      %get3A_653 = arith.constant 4 : i32
      %get3A_654 = arith.index_cast %rem3A_275 : i32 to index
      %get3A_655 = arith.index_cast %get3A_653 : i32 to index
      %get3A_656 = arith.constant 96 : index
      %get3A_657 = tpu.vector_load %arg9[%get3A_654, %get3A_655, %get3A_656] {strides = array<i32>} : memref<4x8x128xf32, #tpu.memory_space<vmem>>, vector<16xf32>,
      %add3A_658 = arith.constant 96 : i32
      %add3A_659 = vector.broadcast %add3A_658 : i32 to vector<16xi32>
      %add3A_660 = arith.addi %iota3A, %add3A_659 : vector<16xi32>
      tpu.vector_store_idx %arg10[%add3A_332, %add3A_604, %add3A_660], %get3A_657 {add = true} : memref<4x200x128xf32, #tpu.memory_space<vmem>>[vector<16xi32>, vector<16xi32>, vector<16xi32>], vector<16xf32>,
      %get3A_661 = arith.constant 4 : i32
      %get3A_662 = arith.index_cast %rem3A_275 : i32 to index
      %get3A_663 = arith.index_cast %get3A_661 : i32 to index
      %get3A_664 = arith.constant 112 : index
      %get3A_665 = tpu.vector_load %arg9[%get3A_662, %get3A_663, %get3A_664] {strides = array<i32>} : memref<4x8x128xf32, #tpu.memory_space<vmem>>, vector<16xf32>,
      %add3A_666 = arith.constant 112 : i32
      %add3A_667 = vector.broadcast %add3A_666 : i32 to vector<16xi32>
      %add3A_668 = arith.addi %iota3A, %add3A_667 : vector<16xi32>
      tpu.vector_store_idx %arg10[%add3A_332, %add3A_604, %add3A_668], %get3A_665 {add = true} : memref<4x200x128xf32, #tpu.memory_space<vmem>>[vector<16xi32>, vector<16xi32>, vector<16xi32>], vector<16xf32>,
      %add3A_669 = arith.constant 5 : i32
      %add3A_670 = vector.broadcast %add3A_669 : i32 to vector<16xi32>
      %add3A_671 = arith.addi %gather3A, %add3A_670 : vector<16xi32>
      %get3A_672 = arith.constant 5 : i32
      %get3A_673 = arith.index_cast %rem3A_275 : i32 to index
      %get3A_674 = arith.index_cast %get3A_672 : i32 to index
      %get3A_675 = arith.constant 0 : index
      %get3A_676 = tpu.vector_load %arg9[%get3A_673, %get3A_674, %get3A_675] {strides = array<i32>} : memref<4x8x128xf32, #tpu.memory_space<vmem>>, vector<16xf32>,
      %add3A_677 = arith.constant 0 : i32
      %add3A_678 = vector.broadcast %add3A_677 : i32 to vector<16xi32>
      %add3A_679 = arith.addi %iota3A, %add3A_678 : vector<16xi32>
      tpu.vector_store_idx %arg10[%add3A_332, %add3A_671, %add3A_679], %get3A_676 {add = true} : memref<4x200x128xf32, #tpu.memory_space<vmem>>[vector<16xi32>, vector<16xi32>, vector<16xi32>], vector<16xf32>,
      %get3A_680 = arith.constant 5 : i32
      %get3A_681 = arith.index_cast %rem3A_275 : i32 to index
      %get3A_682 = arith.index_cast %get3A_680 : i32 to index
      %get3A_683 = arith.constant 16 : index
      %get3A_684 = tpu.vector_load %arg9[%get3A_681, %get3A_682, %get3A_683] {strides = array<i32>} : memref<4x8x128xf32, #tpu.memory_space<vmem>>, vector<16xf32>,
      %add3A_685 = arith.constant 16 : i32
      %add3A_686 = vector.broadcast %add3A_685 : i32 to vector<16xi32>
      %add3A_687 = arith.addi %iota3A, %add3A_686 : vector<16xi32>
      tpu.vector_store_idx %arg10[%add3A_332, %add3A_671, %add3A_687], %get3A_684 {add = true} : memref<4x200x128xf32, #tpu.memory_space<vmem>>[vector<16xi32>, vector<16xi32>, vector<16xi32>], vector<16xf32>,
      %get3A_688 = arith.constant 5 : i32
      %get3A_689 = arith.index_cast %rem3A_275 : i32 to index
      %get3A_690 = arith.index_cast %get3A_688 : i32 to index
      %get3A_691 = arith.constant 32 : index
      %get3A_692 = tpu.vector_load %arg9[%get3A_689, %get3A_690, %get3A_691] {strides = array<i32>} : memref<4x8x128xf32, #tpu.memory_space<vmem>>, vector<16xf32>,
      %add3A_693 = arith.constant 32 : i32
      %add3A_694 = vector.broadcast %add3A_693 : i32 to vector<16xi32>
      %add3A_695 = arith.addi %iota3A, %add3A_694 : vector<16xi32>
      tpu.vector_store_idx %arg10[%add3A_332, %add3A_671, %add3A_695], %get3A_692 {add = true} : memref<4x200x128xf32, #tpu.memory_space<vmem>>[vector<16xi32>, vector<16xi32>, vector<16xi32>], vector<16xf32>,
      %get3A_696 = arith.constant 5 : i32
      %get3A_697 = arith.index_cast %rem3A_275 : i32 to index
      %get3A_698 = arith.index_cast %get3A_696 : i32 to index
      %get3A_699 = arith.constant 48 : index
      %get3A_700 = tpu.vector_load %arg9[%get3A_697, %get3A_698, %get3A_699] {strides = array<i32>} : memref<4x8x128xf32, #tpu.memory_space<vmem>>, vector<16xf32>,
      %add3A_701 = arith.constant 48 : i32
      %add3A_702 = vector.broadcast %add3A_701 : i32 to vector<16xi32>
      %add3A_703 = arith.addi %iota3A, %add3A_702 : vector<16xi32>
      tpu.vector_store_idx %arg10[%add3A_332, %add3A_671, %add3A_703], %get3A_700 {add = true} : memref<4x200x128xf32, #tpu.memory_space<vmem>>[vector<16xi32>, vector<16xi32>, vector<16xi32>], vector<16xf32>,
      %get3A_704 = arith.constant 5 : i32
      %get3A_705 = arith.index_cast %rem3A_275 : i32 to index
      %get3A_706 = arith.index_cast %get3A_704 : i32 to index
      %get3A_707 = arith.constant 64 : index
      %get3A_708 = tpu.vector_load %arg9[%get3A_705, %get3A_706, %get3A_707] {strides = array<i32>} : memref<4x8x128xf32, #tpu.memory_space<vmem>>, vector<16xf32>,
      %add3A_709 = arith.constant 64 : i32
      %add3A_710 = vector.broadcast %add3A_709 : i32 to vector<16xi32>
      %add3A_711 = arith.addi %iota3A, %add3A_710 : vector<16xi32>
      tpu.vector_store_idx %arg10[%add3A_332, %add3A_671, %add3A_711], %get3A_708 {add = true} : memref<4x200x128xf32, #tpu.memory_space<vmem>>[vector<16xi32>, vector<16xi32>, vector<16xi32>], vector<16xf32>,
      %get3A_712 = arith.constant 5 : i32
      %get3A_713 = arith.index_cast %rem3A_275 : i32 to index
      %get3A_714 = arith.index_cast %get3A_712 : i32 to index
      %get3A_715 = arith.constant 80 : index
      %get3A_716 = tpu.vector_load %arg9[%get3A_713, %get3A_714, %get3A_715] {strides = array<i32>} : memref<4x8x128xf32, #tpu.memory_space<vmem>>, vector<16xf32>,
      %add3A_717 = arith.constant 80 : i32
      %add3A_718 = vector.broadcast %add3A_717 : i32 to vector<16xi32>
      %add3A_719 = arith.addi %iota3A, %add3A_718 : vector<16xi32>
      tpu.vector_store_idx %arg10[%add3A_332, %add3A_671, %add3A_719], %get3A_716 {add = true} : memref<4x200x128xf32, #tpu.memory_space<vmem>>[vector<16xi32>, vector<16xi32>, vector<16xi32>], vector<16xf32>,
      %get3A_720 = arith.constant 5 : i32
      %get3A_721 = arith.index_cast %rem3A_275 : i32 to index
      %get3A_722 = arith.index_cast %get3A_720 : i32 to index
      %get3A_723 = arith.constant 96 : index
      %get3A_724 = tpu.vector_load %arg9[%get3A_721, %get3A_722, %get3A_723] {strides = array<i32>} : memref<4x8x128xf32, #tpu.memory_space<vmem>>, vector<16xf32>,
      %add3A_725 = arith.constant 96 : i32
      %add3A_726 = vector.broadcast %add3A_725 : i32 to vector<16xi32>
      %add3A_727 = arith.addi %iota3A, %add3A_726 : vector<16xi32>
      tpu.vector_store_idx %arg10[%add3A_332, %add3A_671, %add3A_727], %get3A_724 {add = true} : memref<4x200x128xf32, #tpu.memory_space<vmem>>[vector<16xi32>, vector<16xi32>, vector<16xi32>], vector<16xf32>,
      %get3A_728 = arith.constant 5 : i32
      %get3A_729 = arith.index_cast %rem3A_275 : i32 to index
      %get3A_730 = arith.index_cast %get3A_728 : i32 to index
      %get3A_731 = arith.constant 112 : index
      %get3A_732 = tpu.vector_load %arg9[%get3A_729, %get3A_730, %get3A_731] {strides = array<i32>} : memref<4x8x128xf32, #tpu.memory_space<vmem>>, vector<16xf32>,
      %add3A_733 = arith.constant 112 : i32
      %add3A_734 = vector.broadcast %add3A_733 : i32 to vector<16xi32>
      %add3A_735 = arith.addi %iota3A, %add3A_734 : vector<16xi32>
      tpu.vector_store_idx %arg10[%add3A_332, %add3A_671, %add3A_735], %get3A_732 {add = true} : memref<4x200x128xf32, #tpu.memory_space<vmem>>[vector<16xi32>, vector<16xi32>, vector<16xi32>], vector<16xf32>,
      %add3A_736 = arith.constant 6 : i32
      %add3A_737 = vector.broadcast %add3A_736 : i32 to vector<16xi32>
      %add3A_738 = arith.addi %gather3A, %add3A_737 : vector<16xi32>
      %get3A_739 = arith.constant 6 : i32
      %get3A_740 = arith.index_cast %rem3A_275 : i32 to index
      %get3A_741 = arith.index_cast %get3A_739 : i32 to index
      %get3A_742 = arith.constant 0 : index
      %get3A_743 = tpu.vector_load %arg9[%get3A_740, %get3A_741, %get3A_742] {strides = array<i32>} : memref<4x8x128xf32, #tpu.memory_space<vmem>>, vector<16xf32>,
      %add3A_744 = arith.constant 0 : i32
      %add3A_745 = vector.broadcast %add3A_744 : i32 to vector<16xi32>
      %add3A_746 = arith.addi %iota3A, %add3A_745 : vector<16xi32>
      tpu.vector_store_idx %arg10[%add3A_332, %add3A_738, %add3A_746], %get3A_743 {add = true} : memref<4x200x128xf32, #tpu.memory_space<vmem>>[vector<16xi32>, vector<16xi32>, vector<16xi32>], vector<16xf32>,
      %get3A_747 = arith.constant 6 : i32
      %get3A_748 = arith.index_cast %rem3A_275 : i32 to index
      %get3A_749 = arith.index_cast %get3A_747 : i32 to index
      %get3A_750 = arith.constant 16 : index
      %get3A_751 = tpu.vector_load %arg9[%get3A_748, %get3A_749, %get3A_750] {strides = array<i32>} : memref<4x8x128xf32, #tpu.memory_space<vmem>>, vector<16xf32>,
      %add3A_752 = arith.constant 16 : i32
      %add3A_753 = vector.broadcast %add3A_752 : i32 to vector<16xi32>
      %add3A_754 = arith.addi %iota3A, %add3A_753 : vector<16xi32>
      tpu.vector_store_idx %arg10[%add3A_332, %add3A_738, %add3A_754], %get3A_751 {add = true} : memref<4x200x128xf32, #tpu.memory_space<vmem>>[vector<16xi32>, vector<16xi32>, vector<16xi32>], vector<16xf32>,
      %get3A_755 = arith.constant 6 : i32
      %get3A_756 = arith.index_cast %rem3A_275 : i32 to index
      %get3A_757 = arith.index_cast %get3A_755 : i32 to index
      %get3A_758 = arith.constant 32 : index
      %get3A_759 = tpu.vector_load %arg9[%get3A_756, %get3A_757, %get3A_758] {strides = array<i32>} : memref<4x8x128xf32, #tpu.memory_space<vmem>>, vector<16xf32>,
      %add3A_760 = arith.constant 32 : i32
      %add3A_761 = vector.broadcast %add3A_760 : i32 to vector<16xi32>
      %add3A_762 = arith.addi %iota3A, %add3A_761 : vector<16xi32>
      tpu.vector_store_idx %arg10[%add3A_332, %add3A_738, %add3A_762], %get3A_759 {add = true} : memref<4x200x128xf32, #tpu.memory_space<vmem>>[vector<16xi32>, vector<16xi32>, vector<16xi32>], vector<16xf32>,
      %get3A_763 = arith.constant 6 : i32
      %get3A_764 = arith.index_cast %rem3A_275 : i32 to index
      %get3A_765 = arith.index_cast %get3A_763 : i32 to index
      %get3A_766 = arith.constant 48 : index
      %get3A_767 = tpu.vector_load %arg9[%get3A_764, %get3A_765, %get3A_766] {strides = array<i32>} : memref<4x8x128xf32, #tpu.memory_space<vmem>>, vector<16xf32>,
      %add3A_768 = arith.constant 48 : i32
      %add3A_769 = vector.broadcast %add3A_768 : i32 to vector<16xi32>
      %add3A_770 = arith.addi %iota3A, %add3A_769 : vector<16xi32>
      tpu.vector_store_idx %arg10[%add3A_332, %add3A_738, %add3A_770], %get3A_767 {add = true} : memref<4x200x128xf32, #tpu.memory_space<vmem>>[vector<16xi32>, vector<16xi32>, vector<16xi32>], vector<16xf32>,
      %get3A_771 = arith.constant 6 : i32
      %get3A_772 = arith.index_cast %rem3A_275 : i32 to index
      %get3A_773 = arith.index_cast %get3A_771 : i32 to index
      %get3A_774 = arith.constant 64 : index
      %get3A_775 = tpu.vector_load %arg9[%get3A_772, %get3A_773, %get3A_774] {strides = array<i32>} : memref<4x8x128xf32, #tpu.memory_space<vmem>>, vector<16xf32>,
      %add3A_776 = arith.constant 64 : i32
      %add3A_777 = vector.broadcast %add3A_776 : i32 to vector<16xi32>
      %add3A_778 = arith.addi %iota3A, %add3A_777 : vector<16xi32>
      tpu.vector_store_idx %arg10[%add3A_332, %add3A_738, %add3A_778], %get3A_775 {add = true} : memref<4x200x128xf32, #tpu.memory_space<vmem>>[vector<16xi32>, vector<16xi32>, vector<16xi32>], vector<16xf32>,
      %get3A_779 = arith.constant 6 : i32
      %get3A_780 = arith.index_cast %rem3A_275 : i32 to index
      %get3A_781 = arith.index_cast %get3A_779 : i32 to index
      %get3A_782 = arith.constant 80 : index
      %get3A_783 = tpu.vector_load %arg9[%get3A_780, %get3A_781, %get3A_782] {strides = array<i32>} : memref<4x8x128xf32, #tpu.memory_space<vmem>>, vector<16xf32>,
      %add3A_784 = arith.constant 80 : i32
      %add3A_785 = vector.broadcast %add3A_784 : i32 to vector<16xi32>
      %add3A_786 = arith.addi %iota3A, %add3A_785 : vector<16xi32>
      tpu.vector_store_idx %arg10[%add3A_332, %add3A_738, %add3A_786], %get3A_783 {add = true} : memref<4x200x128xf32, #tpu.memory_space<vmem>>[vector<16xi32>, vector<16xi32>, vector<16xi32>], vector<16xf32>,
      %get3A_787 = arith.constant 6 : i32
      %get3A_788 = arith.index_cast %rem3A_275 : i32 to index
      %get3A_789 = arith.index_cast %get3A_787 : i32 to index
      %get3A_790 = arith.constant 96 : index
      %get3A_791 = tpu.vector_load %arg9[%get3A_788, %get3A_789, %get3A_790] {strides = array<i32>} : memref<4x8x128xf32, #tpu.memory_space<vmem>>, vector<16xf32>,
      %add3A_792 = arith.constant 96 : i32
      %add3A_793 = vector.broadcast %add3A_792 : i32 to vector<16xi32>
      %add3A_794 = arith.addi %iota3A, %add3A_793 : vector<16xi32>
      tpu.vector_store_idx %arg10[%add3A_332, %add3A_738, %add3A_794], %get3A_791 {add = true} : memref<4x200x128xf32, #tpu.memory_space<vmem>>[vector<16xi32>, vector<16xi32>, vector<16xi32>], vector<16xf32>,
      %get3A_795 = arith.constant 6 : i32
      %get3A_796 = arith.index_cast %rem3A_275 : i32 to index
      %get3A_797 = arith.index_cast %get3A_795 : i32 to index
      %get3A_798 = arith.constant 112 : index
      %get3A_799 = tpu.vector_load %arg9[%get3A_796, %get3A_797, %get3A_798] {strides = array<i32>} : memref<4x8x128xf32, #tpu.memory_space<vmem>>, vector<16xf32>,
      %add3A_800 = arith.constant 112 : i32
      %add3A_801 = vector.broadcast %add3A_800 : i32 to vector<16xi32>
      %add3A_802 = arith.addi %iota3A, %add3A_801 : vector<16xi32>
      tpu.vector_store_idx %arg10[%add3A_332, %add3A_738, %add3A_802], %get3A_799 {add = true} : memref<4x200x128xf32, #tpu.memory_space<vmem>>[vector<16xi32>, vector<16xi32>, vector<16xi32>], vector<16xf32>,
      %add3A_803 = arith.constant 7 : i32
      %add3A_804 = vector.broadcast %add3A_803 : i32 to vector<16xi32>
      %add3A_805 = arith.addi %gather3A, %add3A_804 : vector<16xi32>
      %get3A_806 = arith.constant 7 : i32
      %get3A_807 = arith.index_cast %rem3A_275 : i32 to index
      %get3A_808 = arith.index_cast %get3A_806 : i32 to index
      %get3A_809 = arith.constant 0 : index
      %get3A_810 = tpu.vector_load %arg9[%get3A_807, %get3A_808, %get3A_809] {strides = array<i32>} : memref<4x8x128xf32, #tpu.memory_space<vmem>>, vector<16xf32>,
      %add3A_811 = arith.constant 0 : i32
      %add3A_812 = vector.broadcast %add3A_811 : i32 to vector<16xi32>
      %add3A_813 = arith.addi %iota3A, %add3A_812 : vector<16xi32>
      tpu.vector_store_idx %arg10[%add3A_332, %add3A_805, %add3A_813], %get3A_810 {add = true} : memref<4x200x128xf32, #tpu.memory_space<vmem>>[vector<16xi32>, vector<16xi32>, vector<16xi32>], vector<16xf32>,
      %get3A_814 = arith.constant 7 : i32
      %get3A_815 = arith.index_cast %rem3A_275 : i32 to index
      %get3A_816 = arith.index_cast %get3A_814 : i32 to index
      %get3A_817 = arith.constant 16 : index
      %get3A_818 = tpu.vector_load %arg9[%get3A_815, %get3A_816, %get3A_817] {strides = array<i32>} : memref<4x8x128xf32, #tpu.memory_space<vmem>>, vector<16xf32>,
      %add3A_819 = arith.constant 16 : i32
      %add3A_820 = vector.broadcast %add3A_819 : i32 to vector<16xi32>
      %add3A_821 = arith.addi %iota3A, %add3A_820 : vector<16xi32>
      tpu.vector_store_idx %arg10[%add3A_332, %add3A_805, %add3A_821], %get3A_818 {add = true} : memref<4x200x128xf32, #tpu.memory_space<vmem>>[vector<16xi32>, vector<16xi32>, vector<16xi32>], vector<16xf32>,
      %get3A_822 = arith.constant 7 : i32
      %get3A_823 = arith.index_cast %rem3A_275 : i32 to index
      %get3A_824 = arith.index_cast %get3A_822 : i32 to index
      %get3A_825 = arith.constant 32 : index
      %get3A_826 = tpu.vector_load %arg9[%get3A_823, %get3A_824, %get3A_825] {strides = array<i32>} : memref<4x8x128xf32, #tpu.memory_space<vmem>>, vector<16xf32>,
      %add3A_827 = arith.constant 32 : i32
      %add3A_828 = vector.broadcast %add3A_827 : i32 to vector<16xi32>
      %add3A_829 = arith.addi %iota3A, %add3A_828 : vector<16xi32>
      tpu.vector_store_idx %arg10[%add3A_332, %add3A_805, %add3A_829], %get3A_826 {add = true} : memref<4x200x128xf32, #tpu.memory_space<vmem>>[vector<16xi32>, vector<16xi32>, vector<16xi32>], vector<16xf32>,
      %get3A_830 = arith.constant 7 : i32
      %get3A_831 = arith.index_cast %rem3A_275 : i32 to index
      %get3A_832 = arith.index_cast %get3A_830 : i32 to index
      %get3A_833 = arith.constant 48 : index
      %get3A_834 = tpu.vector_load %arg9[%get3A_831, %get3A_832, %get3A_833] {strides = array<i32>} : memref<4x8x128xf32, #tpu.memory_space<vmem>>, vector<16xf32>,
      %add3A_835 = arith.constant 48 : i32
      %add3A_836 = vector.broadcast %add3A_835 : i32 to vector<16xi32>
      %add3A_837 = arith.addi %iota3A, %add3A_836 : vector<16xi32>
      tpu.vector_store_idx %arg10[%add3A_332, %add3A_805, %add3A_837], %get3A_834 {add = true} : memref<4x200x128xf32, #tpu.memory_space<vmem>>[vector<16xi32>, vector<16xi32>, vector<16xi32>], vector<16xf32>,
      %get3A_838 = arith.constant 7 : i32
      %get3A_839 = arith.index_cast %rem3A_275 : i32 to index
      %get3A_840 = arith.index_cast %get3A_838 : i32 to index
      %get3A_841 = arith.constant 64 : index
      %get3A_842 = tpu.vector_load %arg9[%get3A_839, %get3A_840, %get3A_841] {strides = array<i32>} : memref<4x8x128xf32, #tpu.memory_space<vmem>>, vector<16xf32>,
      %add3A_843 = arith.constant 64 : i32
      %add3A_844 = vector.broadcast %add3A_843 : i32 to vector<16xi32>
      %add3A_845 = arith.addi %iota3A, %add3A_844 : vector<16xi32>
      tpu.vector_store_idx %arg10[%add3A_332, %add3A_805, %add3A_845], %get3A_842 {add = true} : memref<4x200x128xf32, #tpu.memory_space<vmem>>[vector<16xi32>, vector<16xi32>, vector<16xi32>], vector<16xf32>,
      %get3A_846 = arith.constant 7 : i32
      %get3A_847 = arith.index_cast %rem3A_275 : i32 to index
      %get3A_848 = arith.index_cast %get3A_846 : i32 to index
      %get3A_849 = arith.constant 80 : index
      %get3A_850 = tpu.vector_load %arg9[%get3A_847, %get3A_848, %get3A_849] {strides = array<i32>} : memref<4x8x128xf32, #tpu.memory_space<vmem>>, vector<16xf32>,
      %add3A_851 = arith.constant 80 : i32
      %add3A_852 = vector.broadcast %add3A_851 : i32 to vector<16xi32>
      %add3A_853 = arith.addi %iota3A, %add3A_852 : vector<16xi32>
      tpu.vector_store_idx %arg10[%add3A_332, %add3A_805, %add3A_853], %get3A_850 {add = true} : memref<4x200x128xf32, #tpu.memory_space<vmem>>[vector<16xi32>, vector<16xi32>, vector<16xi32>], vector<16xf32>,
      %get3A_854 = arith.constant 7 : i32
      %get3A_855 = arith.index_cast %rem3A_275 : i32 to index
      %get3A_856 = arith.index_cast %get3A_854 : i32 to index
      %get3A_857 = arith.constant 96 : index
      %get3A_858 = tpu.vector_load %arg9[%get3A_855, %get3A_856, %get3A_857] {strides = array<i32>} : memref<4x8x128xf32, #tpu.memory_space<vmem>>, vector<16xf32>,
      %add3A_859 = arith.constant 96 : i32
      %add3A_860 = vector.broadcast %add3A_859 : i32 to vector<16xi32>
      %add3A_861 = arith.addi %iota3A, %add3A_860 : vector<16xi32>
      tpu.vector_store_idx %arg10[%add3A_332, %add3A_805, %add3A_861], %get3A_858 {add = true} : memref<4x200x128xf32, #tpu.memory_space<vmem>>[vector<16xi32>, vector<16xi32>, vector<16xi32>], vector<16xf32>,
      %get3A_862 = arith.constant 7 : i32
      %get3A_863 = arith.index_cast %rem3A_275 : i32 to index
      %get3A_864 = arith.index_cast %get3A_862 : i32 to index
      %get3A_865 = arith.constant 112 : index
      %get3A_866 = tpu.vector_load %arg9[%get3A_863, %get3A_864, %get3A_865] {strides = array<i32>} : memref<4x8x128xf32, #tpu.memory_space<vmem>>, vector<16xf32>,
      %add3A_867 = arith.constant 112 : i32
      %add3A_868 = vector.broadcast %add3A_867 : i32 to vector<16xi32>
      %add3A_869 = arith.addi %iota3A, %add3A_868 : vector<16xi32>
      tpu.vector_store_idx %arg10[%add3A_332, %add3A_805, %add3A_869], %get3A_866 {add = true} : memref<4x200x128xf32, #tpu.memory_space<vmem>>[vector<16xi32>, vector<16xi32>, vector<16xi32>], vector<16xf32>,
      %add3A_870 = arith.addi %mul3A_2, %scan3A_273 : i32
      %dma_start3A_871 = arith.constant 56 : i32
      %dma_start3A_872 = arith.constant 0 : i32
      %dma_start3A_873 = tpu.memref_slice %arg10[%rem3A_275, %dma_start3A_871, %dma_start3A_872] : memref<4x200x128xf32, #tpu.memory_space<vmem>> -> memref<1x144x128xf32, #tpu.memory_space<vmem>>
      %dma_start3A_874 = tpu.memref_squeeze %dma_start3A_873 : memref<1x144x128xf32, #tpu.memory_space<vmem>> -> memref<144x128xf32, #tpu.memory_space<vmem>>
      %dma_start3A_875 = arith.constant 56 : i32
      %dma_start3A_876 = arith.constant 0 : i32
      %dma_start3A_877 = tpu.memref_slice %arg6[%add3A_870, %dma_start3A_875, %dma_start3A_876] : memref<1024x200x128xf32, #tpu.memory_space<hbm>> -> memref<1x144x128xf32, #tpu.memory_space<hbm>>
      %dma_start3A_878 = tpu.memref_squeeze %dma_start3A_877 : memref<1x144x128xf32, #tpu.memory_space<hbm>> -> memref<144x128xf32, #tpu.memory_space<hbm>>
      %dma_start3A_879 = tpu.memref_slice %arg13[%rem3A_275] : memref<4x!tpu.dma_semaphore, #tpu.memory_space<semaphore_mem>> -> memref<1x!tpu.dma_semaphore, #tpu.memory_space<semaphore_mem>>
      %dma_start3A_880 = tpu.memref_squeeze %dma_start3A_879 : memref<1x!tpu.dma_semaphore, #tpu.memory_space<semaphore_mem>> -> memref<!tpu.dma_semaphore, #tpu.memory_space<semaphore_mem>>
      %dma_start3A_881 = arith.constant 56 : i32
      %dma_start3A_882 = arith.constant 0 : i32
      %dma_start3A_883 = tpu.memref_slice %arg6[%add3A_870, %dma_start3A_881, %dma_start3A_882] : memref<1024x200x128xf32, #tpu.memory_space<hbm>> -> memref<1x144x128xf32, #tpu.memory_space<hbm>>
      %dma_start3A_884 = tpu.memref_squeeze %dma_start3A_883 : memref<1x144x128xf32, #tpu.memory_space<hbm>> -> memref<144x128xf32, #tpu.memory_space<hbm>>
      %dma_start3A_885 = arith.constant 56 : i32
      %dma_start3A_886 = arith.constant 0 : i32
      %dma_start3A_887 = tpu.memref_slice %arg10[%rem3A_275, %dma_start3A_885, %dma_start3A_886] : memref<4x200x128xf32, #tpu.memory_space<vmem>> -> memref<1x144x128xf32, #tpu.memory_space<vmem>>
      %dma_start3A_888 = tpu.memref_squeeze %dma_start3A_887 : memref<1x144x128xf32, #tpu.memory_space<vmem>> -> memref<144x128xf32, #tpu.memory_space<vmem>>
      tpu.enqueue_dma source(%dma_start3A_888 : memref<144x128xf32, #tpu.memory_space<vmem>>) target(%dma_start3A_884 : memref<144x128xf32, #tpu.memory_space<hbm>>) target_semaphore(%dma_start3A_880 : memref<!tpu.dma_semaphore, #tpu.memory_space<semaphore_mem>>)
      %rem3A_889 = arith.constant 2 : i32
      %rem3A_890 = arith.remsi %scan3A_273, %rem3A_889 : i32
      %ge3A = arith.constant 2 : i32
      %ge3A_891 = arith.cmpi sge, %scan3A_273, %ge3A : i32
      %convert_element_type3A_892 = arith.extui %ge3A_891 : i1 to i32
      %cond3A_893 = arith.constant 0 : i32
      %cond3A_894 = arith.cmpi ne, %convert_element_type3A_892, %cond3A_893 : i32
      scf.if %cond3A_894 {
        %dma_wait3A_918 = arith.constant 0 : i32
        %dma_wait3A_919 = arith.constant 0 : i32
        %dma_wait3A_920 = arith.constant 0 : i32
        %dma_wait3A_921 = tpu.memref_slice %arg15[%rem3A_890] : memref<2x!tpu.dma_semaphore, #tpu.memory_space<semaphore_mem>> -> memref<1x!tpu.dma_semaphore, #tpu.memory_space<semaphore_mem>>
        %dma_wait3A_922 = tpu.memref_squeeze %dma_wait3A_921 : memref<1x!tpu.dma_semaphore, #tpu.memory_space<semaphore_mem>> -> memref<!tpu.dma_semaphore, #tpu.memory_space<semaphore_mem>>
        %dma_wait3A_923 = arith.constant 0 : i32
        %dma_wait3A_924 = arith.constant 0 : i32
        %dma_wait3A_925 = tpu.memref_slice %arg6[%dma_wait3A_920, %dma_wait3A_923, %dma_wait3A_924] : memref<1024x200x128xf32, #tpu.memory_space<hbm>> -> memref<1x56x128xf32, #tpu.memory_space<hbm>>
        %dma_wait3A_926 = tpu.memref_squeeze %dma_wait3A_925 : memref<1x56x128xf32, #tpu.memory_space<hbm>> -> memref<56x128xf32, #tpu.memory_space<hbm>>
        %dma_wait3A_927 = arith.constant 0 : i32
        %dma_wait3A_928 = arith.constant 0 : i32
        %dma_wait3A_929 = tpu.memref_slice %arg11[%dma_wait3A_918, %dma_wait3A_919, %dma_wait3A_927, %dma_wait3A_928] : memref<16x2x56x128xf32, #tpu.memory_space<vmem_shared>> -> memref<1x1x56x128xf32, #tpu.memory_space<vmem_shared>>
        %dma_wait3A_930 = tpu.memref_squeeze %dma_wait3A_929 : memref<1x1x56x128xf32, #tpu.memory_space<vmem_shared>> -> memref<56x128xf32, #tpu.memory_space<vmem_shared>>
        tpu.wait_dma2 semaphore(%dma_wait3A_922 : memref<!tpu.dma_semaphore, #tpu.memory_space<semaphore_mem>>) src(%dma_wait3A_930 : memref<56x128xf32, #tpu.memory_space<vmem_shared>>) dst(%dma_wait3A_926 : memref<56x128xf32, #tpu.memory_space<hbm>>)
      } else {
      }
      %dma_start3A_895 = arith.constant 0 : i32
      %dma_start3A_896 = arith.constant 0 : i32
      %dma_start3A_897 = tpu.memref_slice %arg10[%rem3A_275, %dma_start3A_895, %dma_start3A_896] : memref<4x200x128xf32, #tpu.memory_space<vmem>> -> memref<1x56x128xf32, #tpu.memory_space<vmem>>
      %dma_start3A_898 = tpu.memref_squeeze %dma_start3A_897 : memref<1x56x128xf32, #tpu.memory_space<vmem>> -> memref<56x128xf32, #tpu.memory_space<vmem>>
      %dma_start3A_899 = arith.constant 0 : i32
      %dma_start3A_900 = arith.constant 0 : i32
      %dma_start3A_901 = tpu.memref_slice %arg11[%arg1, %rem3A_890, %dma_start3A_899, %dma_start3A_900] : memref<16x2x56x128xf32, #tpu.memory_space<vmem_shared>> -> memref<1x1x56x128xf32, #tpu.memory_space<vmem_shared>>
      %dma_start3A_902 = tpu.memref_squeeze %dma_start3A_901 : memref<1x1x56x128xf32, #tpu.memory_space<vmem_shared>> -> memref<56x128xf32, #tpu.memory_space<vmem_shared>>
      %dma_start3A_903 = tpu.memref_slice %arg14[%rem3A_890] : memref<2x!tpu.dma_semaphore, #tpu.memory_space<semaphore_mem>> -> memref<1x!tpu.dma_semaphore, #tpu.memory_space<semaphore_mem>>
      %dma_start3A_904 = tpu.memref_squeeze %dma_start3A_903 : memref<1x!tpu.dma_semaphore, #tpu.memory_space<semaphore_mem>> -> memref<!tpu.dma_semaphore, #tpu.memory_space<semaphore_mem>>
      %dma_start3A_905 = arith.constant 0 : i32
      %dma_start3A_906 = arith.constant 0 : i32
      %dma_start3A_907 = tpu.memref_slice %arg11[%arg1, %rem3A_890, %dma_start3A_905, %dma_start3A_906] : memref<16x2x56x128xf32, #tpu.memory_space<vmem_shared>> -> memref<1x1x56x128xf32, #tpu.memory_space<vmem_shared>>
      %dma_start3A_908 = tpu.memref_squeeze %dma_start3A_907 : memref<1x1x56x128xf32, #tpu.memory_space<vmem_shared>> -> memref<56x128xf32, #tpu.memory_space<vmem_shared>>
      %dma_start3A_909 = arith.constant 0 : i32
      %dma_start3A_910 = arith.constant 0 : i32
      %dma_start3A_911 = tpu.memref_slice %arg10[%rem3A_275, %dma_start3A_909, %dma_start3A_910] : memref<4x200x128xf32, #tpu.memory_space<vmem>> -> memref<1x56x128xf32, #tpu.memory_space<vmem>>
      %dma_start3A_912 = tpu.memref_squeeze %dma_start3A_911 : memref<1x56x128xf32, #tpu.memory_space<vmem>> -> memref<56x128xf32, #tpu.memory_space<vmem>>
      tpu.enqueue_dma source(%dma_start3A_912 : memref<56x128xf32, #tpu.memory_space<vmem>>) target(%dma_start3A_908 : memref<56x128xf32, #tpu.memory_space<vmem_shared>>) target_semaphore(%dma_start3A_904 : memref<!tpu.dma_semaphore, #tpu.memory_space<semaphore_mem>>)
      %ge3A_913 = arith.constant 1 : i32
      %ge3A_914 = arith.cmpi sge, %scan3A_273, %ge3A_913 : i32
      %convert_element_type3A_915 = arith.extui %ge3A_914 : i1 to i32
      %cond3A_916 = arith.constant 0 : i32
      %cond3A_917 = arith.cmpi ne, %convert_element_type3A_915, %cond3A_916 : i32
      scf.if %cond3A_917 {
        %add3A_918 = arith.constant 1 : i32
        %add3A_919 = arith.addi %scan3A_273, %add3A_918 : i32
        %rem3A_920 = arith.constant 2 : i32
        %rem3A_921 = arith.remsi %add3A_919, %rem3A_920 : i32
        %dma_wait3A_922 = arith.constant 0 : i32
        %dma_wait3A_923 = arith.constant 0 : i32
        %dma_wait3A_924 = arith.constant 0 : i32
        %dma_wait3A_925 = arith.constant 0 : i32
        %dma_wait3A_926 = arith.constant 0 : i32
        %dma_wait3A_927 = tpu.memref_slice %arg10[%dma_wait3A_922, %dma_wait3A_925, %dma_wait3A_926] : memref<4x200x128xf32, #tpu.memory_space<vmem>> -> memref<1x56x128xf32, #tpu.memory_space<vmem>>
        %dma_wait3A_928 = tpu.memref_squeeze %dma_wait3A_927 : memref<1x56x128xf32, #tpu.memory_space<vmem>> -> memref<56x128xf32, #tpu.memory_space<vmem>>
        %dma_wait3A_929 = arith.constant 0 : i32
        %dma_wait3A_930 = arith.constant 0 : i32
        %dma_wait3A_931 = tpu.memref_slice %arg11[%dma_wait3A_923, %dma_wait3A_924, %dma_wait3A_929, %dma_wait3A_930] : memref<16x2x56x128xf32, #tpu.memory_space<vmem_shared>> -> memref<1x1x56x128xf32, #tpu.memory_space<vmem_shared>>
        %dma_wait3A_932 = tpu.memref_squeeze %dma_wait3A_931 : memref<1x1x56x128xf32, #tpu.memory_space<vmem_shared>> -> memref<56x128xf32, #tpu.memory_space<vmem_shared>>
        %dma_wait3A_933 = tpu.memref_slice %arg14[%rem3A_921] : memref<2x!tpu.dma_semaphore, #tpu.memory_space<semaphore_mem>> -> memref<1x!tpu.dma_semaphore, #tpu.memory_space<semaphore_mem>>
        %dma_wait3A_934 = tpu.memref_squeeze %dma_wait3A_933 : memref<1x!tpu.dma_semaphore, #tpu.memory_space<semaphore_mem>> -> memref<!tpu.dma_semaphore, #tpu.memory_space<semaphore_mem>>
        %dma_wait3A_935 = arith.constant 0 : i32
        %dma_wait3A_936 = arith.constant 0 : i32
        %dma_wait3A_937 = tpu.memref_slice %arg11[%dma_wait3A_923, %dma_wait3A_924, %dma_wait3A_935, %dma_wait3A_936] : memref<16x2x56x128xf32, #tpu.memory_space<vmem_shared>> -> memref<1x1x56x128xf32, #tpu.memory_space<vmem_shared>>
        %dma_wait3A_938 = tpu.memref_squeeze %dma_wait3A_937 : memref<1x1x56x128xf32, #tpu.memory_space<vmem_shared>> -> memref<56x128xf32, #tpu.memory_space<vmem_shared>>
        %dma_wait3A_939 = arith.constant 0 : i32
        %dma_wait3A_940 = arith.constant 0 : i32
        %dma_wait3A_941 = tpu.memref_slice %arg10[%dma_wait3A_922, %dma_wait3A_939, %dma_wait3A_940] : memref<4x200x128xf32, #tpu.memory_space<vmem>> -> memref<1x56x128xf32, #tpu.memory_space<vmem>>
        %dma_wait3A_942 = tpu.memref_squeeze %dma_wait3A_941 : memref<1x56x128xf32, #tpu.memory_space<vmem>> -> memref<56x128xf32, #tpu.memory_space<vmem>>
        tpu.wait_dma2 semaphore(%dma_wait3A_934 : memref<!tpu.dma_semaphore, #tpu.memory_space<semaphore_mem>>) src(%dma_wait3A_942 : memref<56x128xf32, #tpu.memory_space<vmem>>) dst(%dma_wait3A_938 : memref<56x128xf32, #tpu.memory_space<vmem_shared>>)
        %add3A_943 = arith.addi %mul3A_2, %scan3A_273 : i32
        %sub3A_944 = arith.constant 1 : i32
        %sub3A_945 = arith.subi %add3A_943, %sub3A_944 : i32
        %dma_start3A_946 = tpu.memref_slice %arg15[%rem3A_921] : memref<2x!tpu.dma_semaphore, #tpu.memory_space<semaphore_mem>> -> memref<1x!tpu.dma_semaphore, #tpu.memory_space<semaphore_mem>>
        %dma_start3A_947 = tpu.memref_squeeze %dma_start3A_946 : memref<1x!tpu.dma_semaphore, #tpu.memory_space<semaphore_mem>> -> memref<!tpu.dma_semaphore, #tpu.memory_space<semaphore_mem>>
        %dma_start3A_948 = arith.constant 0 : i32
        %dma_start3A_949 = arith.constant 0 : i32
        %dma_start3A_950 = tpu.memref_slice %arg6[%sub3A_945, %dma_start3A_948, %dma_start3A_949] : memref<1024x200x128xf32, #tpu.memory_space<hbm>> -> memref<1x56x128xf32, #tpu.memory_space<hbm>>
        %dma_start3A_951 = tpu.memref_squeeze %dma_start3A_950 : memref<1x56x128xf32, #tpu.memory_space<hbm>> -> memref<56x128xf32, #tpu.memory_space<hbm>>
        %dma_start3A_952 = arith.constant 0 : i32
        %dma_start3A_953 = arith.constant 0 : i32
        %dma_start3A_954 = tpu.memref_slice %arg11[%arg1, %rem3A_921, %dma_start3A_952, %dma_start3A_953] : memref<16x2x56x128xf32, #tpu.memory_space<vmem_shared>> -> memref<1x1x56x128xf32, #tpu.memory_space<vmem_shared>>
        %dma_start3A_955 = tpu.memref_squeeze %dma_start3A_954 : memref<1x1x56x128xf32, #tpu.memory_space<vmem_shared>> -> memref<56x128xf32, #tpu.memory_space<vmem_shared>>
        tpu.enqueue_dma source(%dma_start3A_955 : memref<56x128xf32, #tpu.memory_space<vmem_shared>>) target(%dma_start3A_951 : memref<56x128xf32, #tpu.memory_space<hbm>>) target_semaphore(%dma_start3A_947 : memref<!tpu.dma_semaphore, #tpu.memory_space<semaphore_mem>>)
      } else {
      }
    }
    %scan3A_111 = arith.constant 32 : i32
    %rem3A = arith.constant 31 : i32
    %rem3A_112 = arith.constant 2 : i32
    %rem3A_113 = arith.remsi %rem3A, %rem3A_112 : i32
    %dma_wait3A = arith.constant 0 : i32
    %dma_wait3A_114 = arith.constant 0 : i32
    %dma_wait3A_115 = arith.constant 0 : i32
    %dma_wait3A_116 = arith.constant 0 : i32
    %dma_wait3A_117 = arith.constant 0 : i32
    %dma_wait3A_118 = tpu.memref_slice %arg10[%dma_wait3A, %dma_wait3A_116, %dma_wait3A_117] : memref<4x200x128xf32, #tpu.memory_space<vmem>> -> memref<1x56x128xf32, #tpu.memory_space<vmem>>
    %dma_wait3A_119 = tpu.memref_squeeze %dma_wait3A_118 : memref<1x56x128xf32, #tpu.memory_space<vmem>> -> memref<56x128xf32, #tpu.memory_space<vmem>>
    %dma_wait3A_120 = arith.constant 0 : i32
    %dma_wait3A_121 = arith.constant 0 : i32
    %dma_wait3A_122 = tpu.memref_slice %arg11[%dma_wait3A_114, %dma_wait3A_115, %dma_wait3A_120, %dma_wait3A_121] : memref<16x2x56x128xf32, #tpu.memory_space<vmem_shared>> -> memref<1x1x56x128xf32, #tpu.memory_space<vmem_shared>>
    %dma_wait3A_123 = tpu.memref_squeeze %dma_wait3A_122 : memref<1x1x56x128xf32, #tpu.memory_space<vmem_shared>> -> memref<56x128xf32, #tpu.memory_space<vmem_shared>>
    %dma_wait3A_124 = tpu.memref_slice %arg14[%rem3A_113] : memref<2x!tpu.dma_semaphore, #tpu.memory_space<semaphore_mem>> -> memref<1x!tpu.dma_semaphore, #tpu.memory_space<semaphore_mem>>
    %dma_wait3A_125 = tpu.memref_squeeze %dma_wait3A_124 : memref<1x!tpu.dma_semaphore, #tpu.memory_space<semaphore_mem>> -> memref<!tpu.dma_semaphore, #tpu.memory_space<semaphore_mem>>
    %dma_wait3A_126 = arith.constant 0 : i32
    %dma_wait3A_127 = arith.constant 0 : i32
    %dma_wait3A_128 = tpu.memref_slice %arg11[%dma_wait3A_114, %dma_wait3A_115, %dma_wait3A_126, %dma_wait3A_127] : memref<16x2x56x128xf32, #tpu.memory_space<vmem_shared>> -> memref<1x1x56x128xf32, #tpu.memory_space<vmem_shared>>
    %dma_wait3A_129 = tpu.memref_squeeze %dma_wait3A_128 : memref<1x1x56x128xf32, #tpu.memory_space<vmem_shared>> -> memref<56x128xf32, #tpu.memory_space<vmem_shared>>
    %dma_wait3A_130 = arith.constant 0 : i32
    %dma_wait3A_131 = arith.constant 0 : i32
    %dma_wait3A_132 = tpu.memref_slice %arg10[%dma_wait3A, %dma_wait3A_130, %dma_wait3A_131] : memref<4x200x128xf32, #tpu.memory_space<vmem>> -> memref<1x56x128xf32, #tpu.memory_space<vmem>>
    %dma_wait3A_133 = tpu.memref_squeeze %dma_wait3A_132 : memref<1x56x128xf32, #tpu.memory_space<vmem>> -> memref<56x128xf32, #tpu.memory_space<vmem>>
    tpu.wait_dma2 semaphore(%dma_wait3A_125 : memref<!tpu.dma_semaphore, #tpu.memory_space<semaphore_mem>>) src(%dma_wait3A_133 : memref<56x128xf32, #tpu.memory_space<vmem>>) dst(%dma_wait3A_129 : memref<56x128xf32, #tpu.memory_space<vmem_shared>>)
    %rem3A_134 = arith.constant 31 : i32
    %rem3A_135 = arith.constant 2 : i32
    %rem3A_136 = arith.remsi %rem3A_134, %rem3A_135 : i32
    %add3A_137 = arith.constant 31 : i32
    %add3A_138 = arith.addi %mul3A_2, %add3A_137 : i32
    %rem3A_139 = arith.constant 31 : i32
    %rem3A_140 = arith.constant 2 : i32
    %rem3A_141 = arith.remsi %rem3A_139, %rem3A_140 : i32
    %dma_start3A_142 = tpu.memref_slice %arg15[%rem3A_141] : memref<2x!tpu.dma_semaphore, #tpu.memory_space<semaphore_mem>> -> memref<1x!tpu.dma_semaphore, #tpu.memory_space<semaphore_mem>>
    %dma_start3A_143 = tpu.memref_squeeze %dma_start3A_142 : memref<1x!tpu.dma_semaphore, #tpu.memory_space<semaphore_mem>> -> memref<!tpu.dma_semaphore, #tpu.memory_space<semaphore_mem>>
    %dma_start3A_144 = arith.constant 0 : i32
    %dma_start3A_145 = arith.constant 0 : i32
    %dma_start3A_146 = tpu.memref_slice %arg6[%add3A_138, %dma_start3A_144, %dma_start3A_145] : memref<1024x200x128xf32, #tpu.memory_space<hbm>> -> memref<1x56x128xf32, #tpu.memory_space<hbm>>
    %dma_start3A_147 = tpu.memref_squeeze %dma_start3A_146 : memref<1x56x128xf32, #tpu.memory_space<hbm>> -> memref<56x128xf32, #tpu.memory_space<hbm>>
    %dma_start3A_148 = arith.constant 0 : i32
    %dma_start3A_149 = arith.constant 0 : i32
    %dma_start3A_150 = tpu.memref_slice %arg11[%arg1, %rem3A_136, %dma_start3A_148, %dma_start3A_149] : memref<16x2x56x128xf32, #tpu.memory_space<vmem_shared>> -> memref<1x1x56x128xf32, #tpu.memory_space<vmem_shared>>
    %dma_start3A_151 = tpu.memref_squeeze %dma_start3A_150 : memref<1x1x56x128xf32, #tpu.memory_space<vmem_shared>> -> memref<56x128xf32, #tpu.memory_space<vmem_shared>>
    tpu.enqueue_dma source(%dma_start3A_151 : memref<56x128xf32, #tpu.memory_space<vmem_shared>>) target(%dma_start3A_147 : memref<56x128xf32, #tpu.memory_space<hbm>>) target_semaphore(%dma_start3A_143 : memref<!tpu.dma_semaphore, #tpu.memory_space<semaphore_mem>>)
    %sub3A = arith.constant 31 : i32
    %sub3A_152 = arith.constant 1 : i32
    %sub3A_153 = arith.subi %sub3A, %sub3A_152 : i32
    %rem3A_154 = arith.constant 2 : i32
    %rem3A_155 = arith.remsi %sub3A_153, %rem3A_154 : i32
    %dma_wait3A_156 = arith.constant 0 : i32
    %dma_wait3A_157 = arith.constant 0 : i32
    %dma_wait3A_158 = arith.constant 0 : i32
    %dma_wait3A_159 = tpu.memref_slice %arg15[%rem3A_155] : memref<2x!tpu.dma_semaphore, #tpu.memory_space<semaphore_mem>> -> memref<1x!tpu.dma_semaphore, #tpu.memory_space<semaphore_mem>>
    %dma_wait3A_160 = tpu.memref_squeeze %dma_wait3A_159 : memref<1x!tpu.dma_semaphore, #tpu.memory_space<semaphore_mem>> -> memref<!tpu.dma_semaphore, #tpu.memory_space<semaphore_mem>>
    %dma_wait3A_161 = arith.constant 0 : i32
    %dma_wait3A_162 = arith.constant 0 : i32
    %dma_wait3A_163 = tpu.memref_slice %arg6[%dma_wait3A_158, %dma_wait3A_161, %dma_wait3A_162] : memref<1024x200x128xf32, #tpu.memory_space<hbm>> -> memref<1x56x128xf32, #tpu.memory_space<hbm>>
    %dma_wait3A_164 = tpu.memref_squeeze %dma_wait3A_163 : memref<1x56x128xf32, #tpu.memory_space<hbm>> -> memref<56x128xf32, #tpu.memory_space<hbm>>
    %dma_wait3A_165 = arith.constant 0 : i32
    %dma_wait3A_166 = arith.constant 0 : i32
    %dma_wait3A_167 = tpu.memref_slice %arg11[%dma_wait3A_156, %dma_wait3A_157, %dma_wait3A_165, %dma_wait3A_166] : memref<16x2x56x128xf32, #tpu.memory_space<vmem_shared>> -> memref<1x1x56x128xf32, #tpu.memory_space<vmem_shared>>
    %dma_wait3A_168 = tpu.memref_squeeze %dma_wait3A_167 : memref<1x1x56x128xf32, #tpu.memory_space<vmem_shared>> -> memref<56x128xf32, #tpu.memory_space<vmem_shared>>
    tpu.wait_dma2 semaphore(%dma_wait3A_160 : memref<!tpu.dma_semaphore, #tpu.memory_space<semaphore_mem>>) src(%dma_wait3A_168 : memref<56x128xf32, #tpu.memory_space<vmem_shared>>) dst(%dma_wait3A_164 : memref<56x128xf32, #tpu.memory_space<hbm>>)
    %rem3A_169 = arith.constant 31 : i32
    %rem3A_170 = arith.constant 2 : i32
    %rem3A_171 = arith.remsi %rem3A_169, %rem3A_170 : i32
    %dma_wait3A_172 = arith.constant 0 : i32
    %dma_wait3A_173 = arith.constant 0 : i32
    %dma_wait3A_174 = arith.constant 0 : i32
    %dma_wait3A_175 = tpu.memref_slice %arg15[%rem3A_171] : memref<2x!tpu.dma_semaphore, #tpu.memory_space<semaphore_mem>> -> memref<1x!tpu.dma_semaphore, #tpu.memory_space<semaphore_mem>>
    %dma_wait3A_176 = tpu.memref_squeeze %dma_wait3A_175 : memref<1x!tpu.dma_semaphore, #tpu.memory_space<semaphore_mem>> -> memref<!tpu.dma_semaphore, #tpu.memory_space<semaphore_mem>>
    %dma_wait3A_177 = arith.constant 0 : i32
    %dma_wait3A_178 = arith.constant 0 : i32
    %dma_wait3A_179 = tpu.memref_slice %arg6[%dma_wait3A_174, %dma_wait3A_177, %dma_wait3A_178] : memref<1024x200x128xf32, #tpu.memory_space<hbm>> -> memref<1x56x128xf32, #tpu.memory_space<hbm>>
    %dma_wait3A_180 = tpu.memref_squeeze %dma_wait3A_179 : memref<1x56x128xf32, #tpu.memory_space<hbm>> -> memref<56x128xf32, #tpu.memory_space<hbm>>
    %dma_wait3A_181 = arith.constant 0 : i32
    %dma_wait3A_182 = arith.constant 0 : i32
    %dma_wait3A_183 = tpu.memref_slice %arg11[%dma_wait3A_172, %dma_wait3A_173, %dma_wait3A_181, %dma_wait3A_182] : memref<16x2x56x128xf32, #tpu.memory_space<vmem_shared>> -> memref<1x1x56x128xf32, #tpu.memory_space<vmem_shared>>
    %dma_wait3A_184 = tpu.memref_squeeze %dma_wait3A_183 : memref<1x1x56x128xf32, #tpu.memory_space<vmem_shared>> -> memref<56x128xf32, #tpu.memory_space<vmem_shared>>
    tpu.wait_dma2 semaphore(%dma_wait3A_176 : memref<!tpu.dma_semaphore, #tpu.memory_space<semaphore_mem>>) src(%dma_wait3A_184 : memref<56x128xf32, #tpu.memory_space<vmem_shared>>) dst(%dma_wait3A_180 : memref<56x128xf32, #tpu.memory_space<hbm>>)
    %rem3A_185 = arith.constant 28 : i32
    %rem3A_186 = arith.constant 4 : i32
    %rem3A_187 = arith.remsi %rem3A_185, %rem3A_186 : i32
    %dma_wait3A_188 = arith.constant 0 : i32
    %dma_wait3A_189 = arith.constant 56 : i32
    %dma_wait3A_190 = arith.constant 0 : i32
    %dma_wait3A_191 = tpu.memref_slice %arg10[%rem3A_187, %dma_wait3A_189, %dma_wait3A_190] : memref<4x200x128xf32, #tpu.memory_space<vmem>> -> memref<1x144x128xf32, #tpu.memory_space<vmem>>
    %dma_wait3A_192 = tpu.memref_squeeze %dma_wait3A_191 : memref<1x144x128xf32, #tpu.memory_space<vmem>> -> memref<144x128xf32, #tpu.memory_space<vmem>>
    %dma_wait3A_193 = arith.constant 56 : i32
    %dma_wait3A_194 = arith.constant 0 : i32
    %dma_wait3A_195 = tpu.memref_slice %arg6[%dma_wait3A_188, %dma_wait3A_193, %dma_wait3A_194] : memref<1024x200x128xf32, #tpu.memory_space<hbm>> -> memref<1x144x128xf32, #tpu.memory_space<hbm>>
    %dma_wait3A_196 = tpu.memref_squeeze %dma_wait3A_195 : memref<1x144x128xf32, #tpu.memory_space<hbm>> -> memref<144x128xf32, #tpu.memory_space<hbm>>
    %dma_wait3A_197 = tpu.memref_slice %arg13[%rem3A_187] : memref<4x!tpu.dma_semaphore, #tpu.memory_space<semaphore_mem>> -> memref<1x!tpu.dma_semaphore, #tpu.memory_space<semaphore_mem>>
    %dma_wait3A_198 = tpu.memref_squeeze %dma_wait3A_197 : memref<1x!tpu.dma_semaphore, #tpu.memory_space<semaphore_mem>> -> memref<!tpu.dma_semaphore, #tpu.memory_space<semaphore_mem>>
    %dma_wait3A_199 = arith.constant 56 : i32
    %dma_wait3A_200 = arith.constant 0 : i32
    %dma_wait3A_201 = tpu.memref_slice %arg6[%dma_wait3A_188, %dma_wait3A_199, %dma_wait3A_200] : memref<1024x200x128xf32, #tpu.memory_space<hbm>> -> memref<1x144x128xf32, #tpu.memory_space<hbm>>
    %dma_wait3A_202 = tpu.memref_squeeze %dma_wait3A_201 : memref<1x144x128xf32, #tpu.memory_space<hbm>> -> memref<144x128xf32, #tpu.memory_space<hbm>>
    %dma_wait3A_203 = arith.constant 56 : i32
    %dma_wait3A_204 = arith.constant 0 : i32
    %dma_wait3A_205 = tpu.memref_slice %arg10[%rem3A_187, %dma_wait3A_203, %dma_wait3A_204] : memref<4x200x128xf32, #tpu.memory_space<vmem>> -> memref<1x144x128xf32, #tpu.memory_space<vmem>>
    %dma_wait3A_206 = tpu.memref_squeeze %dma_wait3A_205 : memref<1x144x128xf32, #tpu.memory_space<vmem>> -> memref<144x128xf32, #tpu.memory_space<vmem>>
    tpu.wait_dma2 semaphore(%dma_wait3A_198 : memref<!tpu.dma_semaphore, #tpu.memory_space<semaphore_mem>>) src(%dma_wait3A_206 : memref<144x128xf32, #tpu.memory_space<vmem>>) dst(%dma_wait3A_202 : memref<144x128xf32, #tpu.memory_space<hbm>>)
    %rem3A_207 = arith.constant 29 : i32
    %rem3A_208 = arith.constant 4 : i32
    %rem3A_209 = arith.remsi %rem3A_207, %rem3A_208 : i32
    %dma_wait3A_210 = arith.constant 0 : i32
    %dma_wait3A_211 = arith.constant 56 : i32
    %dma_wait3A_212 = arith.constant 0 : i32
    %dma_wait3A_213 = tpu.memref_slice %arg10[%rem3A_209, %dma_wait3A_211, %dma_wait3A_212] : memref<4x200x128xf32, #tpu.memory_space<vmem>> -> memref<1x144x128xf32, #tpu.memory_space<vmem>>
    %dma_wait3A_214 = tpu.memref_squeeze %dma_wait3A_213 : memref<1x144x128xf32, #tpu.memory_space<vmem>> -> memref<144x128xf32, #tpu.memory_space<vmem>>
    %dma_wait3A_215 = arith.constant 56 : i32
    %dma_wait3A_216 = arith.constant 0 : i32
    %dma_wait3A_217 = tpu.memref_slice %arg6[%dma_wait3A_210, %dma_wait3A_215, %dma_wait3A_216] : memref<1024x200x128xf32, #tpu.memory_space<hbm>> -> memref<1x144x128xf32, #tpu.memory_space<hbm>>
    %dma_wait3A_218 = tpu.memref_squeeze %dma_wait3A_217 : memref<1x144x128xf32, #tpu.memory_space<hbm>> -> memref<144x128xf32, #tpu.memory_space<hbm>>
    %dma_wait3A_219 = tpu.memref_slice %arg13[%rem3A_209] : memref<4x!tpu.dma_semaphore, #tpu.memory_space<semaphore_mem>> -> memref<1x!tpu.dma_semaphore, #tpu.memory_space<semaphore_mem>>
    %dma_wait3A_220 = tpu.memref_squeeze %dma_wait3A_219 : memref<1x!tpu.dma_semaphore, #tpu.memory_space<semaphore_mem>> -> memref<!tpu.dma_semaphore, #tpu.memory_space<semaphore_mem>>
    %dma_wait3A_221 = arith.constant 56 : i32
    %dma_wait3A_222 = arith.constant 0 : i32
    %dma_wait3A_223 = tpu.memref_slice %arg6[%dma_wait3A_210, %dma_wait3A_221, %dma_wait3A_222] : memref<1024x200x128xf32, #tpu.memory_space<hbm>> -> memref<1x144x128xf32, #tpu.memory_space<hbm>>
    %dma_wait3A_224 = tpu.memref_squeeze %dma_wait3A_223 : memref<1x144x128xf32, #tpu.memory_space<hbm>> -> memref<144x128xf32, #tpu.memory_space<hbm>>
    %dma_wait3A_225 = arith.constant 56 : i32
    %dma_wait3A_226 = arith.constant 0 : i32
    %dma_wait3A_227 = tpu.memref_slice %arg10[%rem3A_209, %dma_wait3A_225, %dma_wait3A_226] : memref<4x200x128xf32, #tpu.memory_space<vmem>> -> memref<1x144x128xf32, #tpu.memory_space<vmem>>
    %dma_wait3A_228 = tpu.memref_squeeze %dma_wait3A_227 : memref<1x144x128xf32, #tpu.memory_space<vmem>> -> memref<144x128xf32, #tpu.memory_space<vmem>>
    tpu.wait_dma2 semaphore(%dma_wait3A_220 : memref<!tpu.dma_semaphore, #tpu.memory_space<semaphore_mem>>) src(%dma_wait3A_228 : memref<144x128xf32, #tpu.memory_space<vmem>>) dst(%dma_wait3A_224 : memref<144x128xf32, #tpu.memory_space<hbm>>)
    %rem3A_229 = arith.constant 30 : i32
    %rem3A_230 = arith.constant 4 : i32
    %rem3A_231 = arith.remsi %rem3A_229, %rem3A_230 : i32
    %dma_wait3A_232 = arith.constant 0 : i32
    %dma_wait3A_233 = arith.constant 56 : i32
    %dma_wait3A_234 = arith.constant 0 : i32
    %dma_wait3A_235 = tpu.memref_slice %arg10[%rem3A_231, %dma_wait3A_233, %dma_wait3A_234] : memref<4x200x128xf32, #tpu.memory_space<vmem>> -> memref<1x144x128xf32, #tpu.memory_space<vmem>>
    %dma_wait3A_236 = tpu.memref_squeeze %dma_wait3A_235 : memref<1x144x128xf32, #tpu.memory_space<vmem>> -> memref<144x128xf32, #tpu.memory_space<vmem>>
    %dma_wait3A_237 = arith.constant 56 : i32
    %dma_wait3A_238 = arith.constant 0 : i32
    %dma_wait3A_239 = tpu.memref_slice %arg6[%dma_wait3A_232, %dma_wait3A_237, %dma_wait3A_238] : memref<1024x200x128xf32, #tpu.memory_space<hbm>> -> memref<1x144x128xf32, #tpu.memory_space<hbm>>
    %dma_wait3A_240 = tpu.memref_squeeze %dma_wait3A_239 : memref<1x144x128xf32, #tpu.memory_space<hbm>> -> memref<144x128xf32, #tpu.memory_space<hbm>>
    %dma_wait3A_241 = tpu.memref_slice %arg13[%rem3A_231] : memref<4x!tpu.dma_semaphore, #tpu.memory_space<semaphore_mem>> -> memref<1x!tpu.dma_semaphore, #tpu.memory_space<semaphore_mem>>
    %dma_wait3A_242 = tpu.memref_squeeze %dma_wait3A_241 : memref<1x!tpu.dma_semaphore, #tpu.memory_space<semaphore_mem>> -> memref<!tpu.dma_semaphore, #tpu.memory_space<semaphore_mem>>
    %dma_wait3A_243 = arith.constant 56 : i32
    %dma_wait3A_244 = arith.constant 0 : i32
    %dma_wait3A_245 = tpu.memref_slice %arg6[%dma_wait3A_232, %dma_wait3A_243, %dma_wait3A_244] : memref<1024x200x128xf32, #tpu.memory_space<hbm>> -> memref<1x144x128xf32, #tpu.memory_space<hbm>>
    %dma_wait3A_246 = tpu.memref_squeeze %dma_wait3A_245 : memref<1x144x128xf32, #tpu.memory_space<hbm>> -> memref<144x128xf32, #tpu.memory_space<hbm>>
    %dma_wait3A_247 = arith.constant 56 : i32
    %dma_wait3A_248 = arith.constant 0 : i32
    %dma_wait3A_249 = tpu.memref_slice %arg10[%rem3A_231, %dma_wait3A_247, %dma_wait3A_248] : memref<4x200x128xf32, #tpu.memory_space<vmem>> -> memref<1x144x128xf32, #tpu.memory_space<vmem>>
    %dma_wait3A_250 = tpu.memref_squeeze %dma_wait3A_249 : memref<1x144x128xf32, #tpu.memory_space<vmem>> -> memref<144x128xf32, #tpu.memory_space<vmem>>
    tpu.wait_dma2 semaphore(%dma_wait3A_242 : memref<!tpu.dma_semaphore, #tpu.memory_space<semaphore_mem>>) src(%dma_wait3A_250 : memref<144x128xf32, #tpu.memory_space<vmem>>) dst(%dma_wait3A_246 : memref<144x128xf32, #tpu.memory_space<hbm>>)
    %rem3A_251 = arith.constant 31 : i32
    %rem3A_252 = arith.constant 4 : i32
    %rem3A_253 = arith.remsi %rem3A_251, %rem3A_252 : i32
    %dma_wait3A_254 = arith.constant 0 : i32
    %dma_wait3A_255 = arith.constant 56 : i32
    %dma_wait3A_256 = arith.constant 0 : i32
    %dma_wait3A_257 = tpu.memref_slice %arg10[%rem3A_253, %dma_wait3A_255, %dma_wait3A_256] : memref<4x200x128xf32, #tpu.memory_space<vmem>> -> memref<1x144x128xf32, #tpu.memory_space<vmem>>
    %dma_wait3A_258 = tpu.memref_squeeze %dma_wait3A_257 : memref<1x144x128xf32, #tpu.memory_space<vmem>> -> memref<144x128xf32, #tpu.memory_space<vmem>>
    %dma_wait3A_259 = arith.constant 56 : i32
    %dma_wait3A_260 = arith.constant 0 : i32
    %dma_wait3A_261 = tpu.memref_slice %arg6[%dma_wait3A_254, %dma_wait3A_259, %dma_wait3A_260] : memref<1024x200x128xf32, #tpu.memory_space<hbm>> -> memref<1x144x128xf32, #tpu.memory_space<hbm>>
    %dma_wait3A_262 = tpu.memref_squeeze %dma_wait3A_261 : memref<1x144x128xf32, #tpu.memory_space<hbm>> -> memref<144x128xf32, #tpu.memory_space<hbm>>
    %dma_wait3A_263 = tpu.memref_slice %arg13[%rem3A_253] : memref<4x!tpu.dma_semaphore, #tpu.memory_space<semaphore_mem>> -> memref<1x!tpu.dma_semaphore, #tpu.memory_space<semaphore_mem>>
    %dma_wait3A_264 = tpu.memref_squeeze %dma_wait3A_263 : memref<1x!tpu.dma_semaphore, #tpu.memory_space<semaphore_mem>> -> memref<!tpu.dma_semaphore, #tpu.memory_space<semaphore_mem>>
    %dma_wait3A_265 = arith.constant 56 : i32
    %dma_wait3A_266 = arith.constant 0 : i32
    %dma_wait3A_267 = tpu.memref_slice %arg6[%dma_wait3A_254, %dma_wait3A_265, %dma_wait3A_266] : memref<1024x200x128xf32, #tpu.memory_space<hbm>> -> memref<1x144x128xf32, #tpu.memory_space<hbm>>
    %dma_wait3A_268 = tpu.memref_squeeze %dma_wait3A_267 : memref<1x144x128xf32, #tpu.memory_space<hbm>> -> memref<144x128xf32, #tpu.memory_space<hbm>>
    %dma_wait3A_269 = arith.constant 56 : i32
    %dma_wait3A_270 = arith.constant 0 : i32
    %dma_wait3A_271 = tpu.memref_slice %arg10[%rem3A_253, %dma_wait3A_269, %dma_wait3A_270] : memref<4x200x128xf32, #tpu.memory_space<vmem>> -> memref<1x144x128xf32, #tpu.memory_space<vmem>>
    %dma_wait3A_272 = tpu.memref_squeeze %dma_wait3A_271 : memref<1x144x128xf32, #tpu.memory_space<vmem>> -> memref<144x128xf32, #tpu.memory_space<vmem>>
    tpu.wait_dma2 semaphore(%dma_wait3A_264 : memref<!tpu.dma_semaphore, #tpu.memory_space<semaphore_mem>>) src(%dma_wait3A_272 : memref<144x128xf32, #tpu.memory_space<vmem>>) dst(%dma_wait3A_268 : memref<144x128xf32, #tpu.memory_space<hbm>>)
    return
  }
}

</mosaic_0001>

<sc_bundles>
// kernel: kernel.3.cloned.1.call-start
scs
__scs_entry_jumppad:
0x0: {  	(pc) =	sbr.rel $0x88, $3  }
0x1: {  	(tag) =	ssettag $0x0;
	lr =	simm.s32 $0x1  }
0x2: {  	[smem:$0x3F9D] =	sst lr;
	_ =	strace $0xD0000000  }
0x3: {  	_ = 	snop  }
0x4: {  	_ = 	snop  }
0x5: {  	_ = 	snop  }
0x6: {  	_ = 	snop  }
0x7: {  	_ = 	snop  }
__scs_overlays_trampoline_lowered:
0x8: {  	[smem:$0x3FAC] =	sst s0  }
0x9: {  	[smem:$0x3FAD] =	sst s1  }
0xa: {  	[smem:$0x3FAE] =	sst s2  }
0xb: {  	[smem:$0x3FAF] =	sst s3  }
0xc: {  	[smem:$0x3FB0] =	sst s4  }
0xd: {  	[smem:$0x3FB1] =	sst s5  }
0xe: {  	[smem:$0x3FB2] =	sst s6  }
0xf: {  	[smem:$0x3FB3] =	sst s7  }
0x10: {  	[smem:$0x3FB4] =	sst s8  }
0x11: {  	[smem:$0x3FB5] =	sst s9;
	s0 =	simm.s32 @!p0 $0x0  }
0x12: {  	s1 =	sld [smem:$0x3F9B];
	s0 =	simm.s32 @p0 $0x1  }
0x13: {  	[smem:$0x3FB6] =	sst s0;
	s0 =	simm.s32 @!p1 $0x0  }
0x14: {  	s2 =	sld [smem:$0x3F9A];
	s0 =	simm.s32 @p1 $0x1  }
0x15: {  	[smem:$0x3FB7] =	sst s0;
	s0 =	simm.s32 @!p2 $0x0  }
0x16: {  	s3 =	sld [smem:$0x3FDB];
	s0 =	simm.s32 @p2 $0x1  }
0x17: {  	s4 =	simm.s32 $0x1BF5;
	[smem:$0x3FB9] =	sst s0  }
0x18: {  	s0 =	sld [smem:$0x3F9C];
	_ =	swait.ge [sflag:s4], $0x0  }
0x19: {  	s7 =	sld [smem:$0x3F9D]  }
0x1a: {  	s8 =	sadd.s32 $0xFFFFE003, lr  }
0x1b: {  	s9 =	sadd.s32 $0xFFFFFEF7, lr;
	s5 =	simm.s32 $0xFFFFFFFF;
	p2 =	slt.u32 s8, $0xFFFFF086  }
0x1c: {  	p1 =	slt.u32 s9, $0xF7A;
	s5 =	simm.s32 @!p2 $0x0  }
0x1d: {  	s5 =	simm.s32 @p1 $0x1;
	p0 =	seq.s32 s7, s2  }
0x1e: {  	s7 =	smul.u32 @!p0 $0xF7A, s2;
	p2 =	seq.s32 @!p0 s5, $0x0  }
0x1f: {  	s9 =	smul.u32 $0xF7A, s1;
	s8 =	simm.s32 @!p0 $0x1BF5;
	p2 =	por !p2, p0  }
0x20: {  	[sflag:s8] =	ssyncset.s32 @!p0 $0xFFFFF086;
	s6 =	sadd.s32 @!p0 s3, s7;
	s7 =	simm.s32 @!p0 $0x108  }
0x21: {  	s3 =	sadd.s32 s3, s9;
	s6 =	sadd.s32 @!p0 $0x88, s6;
	s7 =	simm.s32 @p2 $0x1082  }
0x22: {  	[simem:s7], [sflag:s8] =	dma.local @!p0 [hbm:s6], $0xF7A  }
0x23: {  	s9 =	sor.u32 $0xD0000000, s2;
	s6 =	simm.s32 $0x108;
	_ =	swait.ge @!p0 [sflag:s8], $0x0  }
0x24: {  	s3 =	sadd.s32 $0x88, s3;
	s6 =	simm.s32 @!p1 $0x1082;
	[sflag:s4] =	ssyncset.s32 $0xFFFFF086  }
0x25: {  	[simem:s6], [sflag:s4] =	dma.local [hbm:s3], $0xF7A  }
0x26: {  	[smem:$0x3F9D] =	sst s1;
	(tag) =	ssettag s2;
	_ =	strace s9  }
0x27: {  	s1 =	sld [smem:$0x3FAD]  }
0x28: {  	s2 =	sld [smem:$0x3FAE]  }
0x29: {  	s4 =	sld [smem:$0x3FB0]  }
0x2a: {  	p0 =	seq.s32 s5, $0x0;
	s5 =	sld [smem:$0x3FB1]  }
0x2b: {  	s6 =	sld [smem:$0x3FB2]  }
0x2c: {  	s7 =	sld [smem:$0x3FB3]  }
0x2d: {  	s3 =	simm.s32 $0x108;
	s8 =	sld [smem:$0x3FB4]  }
0x2e: {  	s3 =	simm.s32 @!p0 $0x1082;
	s9 =	sld [smem:$0x3FB5]  }
0x2f: {  	lr =	sadd.s32 s0, s3;
	s0 =	sld [smem:$0x3FAC]  }
0x30: {  	s3 =	sld [smem:$0x3FAF]  }
0x31: {  	[smem:$0x3FB8] =	sst s10  }
0x32: {  	s10 =	sld [smem:$0x3FB6];
	_ =	sdelay $0x3  }
0x33: {  	p0 =	seq.s32 s10, $0x1;
	s10 =	sld [smem:$0x3FB8];
	_ =	sdelay $0x3  }
0x34: {  	[smem:$0x3FB8] =	sst s10  }
0x35: {  	s10 =	sld [smem:$0x3FB7];
	_ =	sdelay $0x3  }
0x36: {  	p1 =	seq.s32 s10, $0x1;
	s10 =	sld [smem:$0x3FB8];
	_ =	sdelay $0x3  }
0x37: {  	[smem:$0x3FB8] =	sst s10  }
0x38: {  	s10 =	sld [smem:$0x3FB9]  }
0x39: {  	_ = 	snop;
	(pc) =	sbr.ind lr, $3  }
0x3a: {  	_ = 	snop  }
0x3b: {  	_ = 	snop  }
0x3c: {  	p2 =	seq.s32 s10, $0x1;
	s10 =	sld [smem:$0x3FB8]  }
0x3d: {  	_ =	shalt  }
0x3e: {  	_ =	shalt  }
0x3f: {  	_ =	shalt  }
0x40: {  	_ =	shalt  }
0x41: {  	_ =	shalt  }
0x42: {  	_ =	shalt  }
0x43: {  	_ =	shalt  }
0x44: {  	_ =	shalt  }
0x45: {  	_ =	shalt  }
0x46: {  	_ =	shalt  }
0x47: {  	_ =	shalt  }
0x48: {  	_ =	shalt  }
0x49: {  	_ =	shalt  }
0x4a: {  	_ =	shalt  }
0x4b: {  	_ =	shalt  }
0x4c: {  	_ =	shalt  }
0x4d: {  	_ =	shalt  }
0x4e: {  	_ =	shalt  }
0x4f: {  	_ =	shalt  }
0x50: {  	_ =	shalt  }
0x51: {  	_ =	shalt  }
0x52: {  	_ =	shalt  }
0x53: {  	_ =	shalt  }
0x54: {  	_ =	shalt  }
0x55: {  	_ =	shalt  }
0x56: {  	_ =	shalt  }
0x57: {  	_ =	shalt  }
0x58: {  	_ =	shalt  }
0x59: {  	_ =	shalt  }
0x5a: {  	_ =	shalt  }
0x5b: {  	_ =	shalt  }
0x5c: {  	_ =	shalt  }
0x5d: {  	_ =	shalt  }
0x5e: {  	_ =	shalt  }
0x5f: {  	_ =	shalt  }
0x60: {  	_ =	shalt  }
0x61: {  	_ =	shalt  }
0x62: {  	_ =	shalt  }
0x63: {  	_ =	shalt  }
0x64: {  	_ =	shalt  }
0x65: {  	_ =	shalt  }
0x66: {  	_ =	shalt  }
0x67: {  	_ =	shalt  }
0x68: {  	_ =	shalt  }
0x69: {  	_ =	shalt  }
0x6a: {  	_ =	shalt  }
0x6b: {  	_ =	shalt  }
0x6c: {  	_ =	shalt  }
0x6d: {  	_ =	shalt  }
0x6e: {  	_ =	shalt  }
0x6f: {  	_ =	shalt  }
0x70: {  	_ =	shalt  }
0x71: {  	_ =	shalt  }
0x72: {  	_ =	shalt  }
0x73: {  	_ =	shalt  }
0x74: {  	_ =	shalt  }
0x75: {  	_ =	shalt  }
0x76: {  	_ =	shalt  }
0x77: {  	_ =	shalt  }
0x78: {  	_ =	shalt  }
0x79: {  	_ =	shalt  }
0x7a: {  	_ =	shalt  }
0x7b: {  	_ =	shalt  }
0x7c: {  	_ =	shalt  }
0x7d: {  	_ =	shalt  }
0x7e: {  	_ =	shalt  }
0x7f: {  	_ =	shalt  }
0x80: {  	_ =	shalt  }
0x81: {  	_ =	shalt  }
0x82: {  	_ =	shalt  }
0x83: {  	_ =	shalt  }
0x84: {  	_ =	shalt  }
0x85: {  	_ =	shalt  }
0x86: {  	_ =	shalt  }
0x87: {  	_ =	shalt  }
.Lfunc_end0:
.L_simem_size_0:
called_computation_lowered:
.L_overlay_start_0:
0x88: {  	s2 =	sld [smem:$0x3FD9]  }
0x89: {  	s3 =	sld [smem:$0x3FFE];
	_ =	sdelay $0x1  }
0x8a: {  	s1 =	srdreg.scid  }
0x8b: {  	s0 =	sand.u32 $0x1, s1  }
0x8c: {  	s17 =	sshll.u32 s0, $0xA;
	s2 =	sadd.s32 s3, s2  }
0x8d: {  	s2 =	sadd.s32 s2, s17  }
0x8e: {  	[smem:$0x3FC4] =	sst s2  }
0x8f: {  	_ = 	snop  }
0x90: {  	s2 =	sld [smem:$0x3FC9]  }
0x91: {  	s18 =	sld [smem:$0x3FC7]  }
0x92: {  	s4 =	sld [smem:$0x3FC6]  }
0x93: {  	s5 =	sld [smem:$0x3FD0];
	(tm) =	ssettm $0x1  }
0x94: {  	s6 =	sld [smem:$0x3FFB];
	_ =	sdelay $0x3  }
0x95: {  	_ =	strace s6  }
0x96: {  	s6 =	sld [smem:$0x3FFC];
	_ =	sdelay $0x3  }
0x97: {  	_ =	strace s6  }
0x98: {  	s6 =	sld [smem:$0x3FFD];
	_ =	sdelay $0x3  }
0x99: {  	_ =	strace s6  }
0x9a: {  	_ =	strace $0x8FFFFFFF  }
0x9b: {  	s19 =	sld [smem:$0x3FDB];
	_ =	sdelay $0x1  }
0x9c: {  	s7 =	simm.s32 $_scs_section_size  }
0x9d: {  	s8 =	simm.s32 $_size__tile_overlayer_lowered;
	s9 =	simm.s32 $_tile_overlayer_lowered  }
0x9e: {  	s22 =	simm.s32 $0x1BFF;
	s21 =	sshll.u32 s9, $0x1;
	s6 =	sadd.s32 s7, s19  }
0x9f: {  	s10 =	simm.s32 $0x0;
	s20 =	sshll.u32 s8, $0x1;
	s8 =	sadd.s32 s21, s6  }
0xa0: {  	[timem:s10], [sflag:s22] =	dma.local [hbm:s8], s20  }
0xa1: {  	_ =	swait.ge [sflag:s22], s20  }
0xa2: {  	s7 =	ssub.s32 $0x0, s20;
	[sflag:s22] =	ssyncset.done $0x0  }
0xa3: {  	[sflag:s22] =	ssyncadd.s32 s7;
	_ =	sdelay $0x1  }
0xa4: {  	s23 =	simm.s32 $0x1B8B  }
0xa5: {  	_ =	swait.ge [sflag:s23], $0x1  }
0xa6: {  	[sflag:s23] =	ssyncset.done $0x0  }
0xa7: {  	s25 =	simm.s32 $0x1B8E;
	s24 =	sld [smem:$0x3FFE];
	[sflag:s23] =	ssyncadd.s32 $0xFFFFFFFF  }
0xa8: {  	s26 =	simm.s32 $execute0_lowered;
	[smem:$0x3FD2] =	sst s25  }
0xa9: {  	s8 =	sshll.u32 s26, $0x1;
	_ =	strace $0x80000046;
	[dreg:$0x1] =	wrdreg $0xFFFFFFFF  }
0xaa: {  	s28 =	simm.s32 $_size_execute0_lowered;
	s6 =	sadd.s32 s6, s8;
	[dreg:$0x0] =	wrdreg $0x0  }
0xab: {  	s8 =	sshll.u32 s28, $0x1;
	[dreg:$0x2] =	wrdreg s6  }
0xac: {  	[dreg:$0x3] =	wrdreg s8  }
0xad: {  	[dreg:$0x4] =	wrdreg $0xC0  }
0xae: {  	_ =	task [dreg:s10], $0x5FFFF  }
0xaf: {  	[dreg:$0x1] =	wrdreg $0xFFFFFFFF  }
0xb0: {  	[dreg:$0x0] =	wrdreg $0x60  }
0xb1: {  	[dreg:$0x2] =	wrdreg s2  }
0xb2: {  	[dreg:$0x3] =	wrdreg s24  }
0xb3: {  	[dreg:$0x4] =	wrdreg s18  }
0xb4: {  	[dreg:$0x5] =	wrdreg s4  }
0xb5: {  	[dreg:$0x6] =	wrdreg s5  }
0xb6: {  	[dreg:$0x7] =	wrdreg $0x1C0800  }
0xb7: {  	[dreg:$0x8] =	wrdreg $0x9  }
0xb8: {  	_ =	task.clear_ibuf [dreg:s10], $0x9FFFF;
	_ =	strace $0x90000046  }
0xb9: {  	s29 =	simm.s32 $0x9;
	_ =	strace $0x80000048  }
0xba: {  	_ =	swait.ge [sflag:s29], $0x1  }
0xbb: {  	[sflag:s29] =	ssyncadd.s32 $0xFFFFFFFF  }
0xbc: {  	_ =	strace $0x90000048  }
0xbd: {  	_ =	sfence  }
0xbe: {  	s30 =	sld [smem:$0x0];
	_ =	sdelay $0x2  }
0xbf: {  	s31 =	sshll.u32 s1, $0xD;
	s1 =	sshrl.u32 s1, $0x2  }
0xc0: {  	s3 =	sand.u32 $0x4000, s31;
	s1 =	sadd.s32 s1, s30  }
0xc1: {  	s0 =	sor.u32 s3, s0;
	s1 =	sshll.u32 s1, $0x11  }
0xc2: {  	s0 =	sor.u32 s1, s0  }
0xc3: {  	s0 =	sadd.s32 $0x8F2B, s0  }
0xc4: {  	[sflag:s0] =	ssyncadd.remote.s32 $0x1  }
0xc5: {  	_ =	sfence.sel $0xFFFF  }
0xc6: {  	[dreg:$0x0] =	wrdreg $0xFFFFFFFF;
	(pc) =	sbr.abs _section_cstart, $3  }
0xc7: {  	[dreg:$0x1] =	wrdreg $0xFFFFFFFF  }
0xc8: {  	_ =	task.clear_ibuf [dreg:s10], $0x2FFFF;
	_ =	strace $0x9FFFFFFF  }
0xc9: {  	(tm) =	ssettm $0x7FFFFFFF  }
tec
execute0_lowered:
.L_overlay_start_1:
0x0: {  	(tag) =	ssettag $0x1  }
0x1: {  	s0 =	rddreg [dreg:$0x0]  }
0x2: {  	s6 =	rddreg [dreg:$0x1]  }
0x3: {  	s7 =	rddreg [dreg:$0x2]  }
0x4: {  	s1 =	rddreg [dreg:$0x3];
	s3 =	srdreg.scid;
	v0 =	vlaneseq.u32  }
0x5: {  	s2 =	rddreg [dreg:$0x4];
	s14 =	stileid.u32;
	v1 =	vor.u32 $0x10, v0;
	v3 =	vor.u32 $0x30, v0;
	v4 =	vor.u32 $0x40, v0  }
0x6: {  	s8 =	rddreg [dreg:$0x5];
	s5 =	simm.s32 $0x0;
	s30 =	simm.s32 $0xA;
	v5 =	vor.u32 $0x50, v0;
	v6 =	vor.u32 $0x60, v0;
	v7 =	vor.u32 $0x70, v0  }
0x7: {  	s31 =	simm.s32 $0xB;
	s3 =	sand.u32 $0x1, s3;
	v8 =	vor.u32 $0x80, v0;
	v9 =	vor.u32 $0x90, v0;
	v10 =	vor.u32 $0xA0, v0;
	s16 =	smul.u32 $0xE000, s14  }
0x8: {  	s4 =	sshll.u32 s14, $0x6;
	[smem:$0x7FF] =	sst s5;
	v11 =	vor.u32 $0xB0, v0;
	v12 =	vor.u32 $0xC0, v0;
	v13 =	vor.u32 $0xD0, v0;
	s20 =	smul.u32 $0x190000, s14  }
0x9: {  	v14 =	vor.u32 $0xE0, v0;
	v15 =	vor.u32 $0xF0, v0;
	s24 =	sshll.u32 s14, $0xD;
	[tilespmem:$0x1FFE0] =	vst v1;
	v1 =	vor.u32 $0x20, v0;
	s9 =	sshll.u32 s3, $0x5;
	s11 =	ssub.s32 $0x2, s3  }
0xa: {  	v16 =	vor.u32 $0x100, v0;
	v17 =	vor.u32 $0x110, v0;
	v18 =	vor.u32 $0x120, v0;
	s13 =	smul.u32 $0xC8000, s3;
	s3 =	sshll.u32 s3, $0xC;
	[tilespmem:$0x1FFF0] =	vst v1;
	s9 =	sor.u32 s9, s4  }
0xb: {  	v19 =	vor.u32 $0x130, v0;
	v20 =	vor.u32 $0x140, v0;
	v21 =	vor.u32 $0x150, v0;
	s15 =	sshrl.u32 s11, $0x1;
	s10 =	sshll.u32 s9, $0x5;
	_ =	strace $0x80000047  }
0xc: {  	v22 =	vor.u32 $0x160, v0;
	v23 =	vor.u32 $0x170, v0;
	v24 =	vor.u32 $0x180, v0;
	s12 =	ssub.s32 s11, s15;
	s17 =	sshrl.u32 s9, $0x3;
	s18 =	sshll.u32 s9, $0x7  }
0xd: {  	v25 =	vor.u32 $0x190, v0;
	v26 =	vor.u32 $0x1A0, v0;
	v27 =	vor.u32 $0x1B0, v0;
	s9 =	smul.u32 $0x6400, s9;
	s22 =	sadd.s32 s13, s20;
	s20 =	simm.s32 $0x48  }
0xe: {  	v28 =	vor.u32 $0x1C0, v0;
	v29 =	vor.u32 $0x1D0, v0;
	v30 =	vor.u32 $0x1E0, v0;
	s6 =	sadd.s32 s10, s6;
	s7 =	sadd.s32 s7, s17;
	s19 =	sadd.s32 s1, s18  }
0xf: {  	v31 =	vor.u32 $0x1F0, v0;
	v32 =	vor.u32 $0x200, v0;
	v33 =	vor.u32 $0x210, v0;
	s23 =	smax.u32 s12, $0x1;
	s25 =	sor.u32 $0x1C00, s22;
	s1 =	sadd.s32 s24, s1  }
0x10: {  	v34 =	vor.u32 $0x220, v0;
	v35 =	vor.u32 $0x230, v0;
	v36 =	vor.u32 $0x240, v0;
	s28 =	sadd.s32 $0xFFFF9C00, s22;
	s17 =	simm.s32 $0x2000;
	s22 =	simm.s32 $0x7  }
0x11: {  	v37 =	vor.u32 $0x250, v0;
	v38 =	vor.u32 $0x260, v0;
	v39 =	vor.u32 $0x270, v0;
	s24 =	simm.s32 $0x0;
	s6 =	sadd.s32 $0x400, s6;
	[dreg:$0x8] =	wrdreg s7  }
0x12: {  	v40 =	vor.u32 $0x280, v0;
	v41 =	vor.u32 $0x290, v0;
	v42 =	vor.u32 $0x2A0, v0;
	s9 =	sshrl.u32 s9, $0x3;
	[dreg:$0x9] =	wrdreg s19;
	s10 =	sadd.s32 $0x80, s19  }
0x13: {  	v43 =	vor.u32 $0x2B0, v0;
	v44 =	vor.u32 $0x2C0, v0;
	v45 =	vor.u32 $0x2D0, v0;
	[dreg:$0xc] =	wrdreg s23;
	s26 =	sshrl.u32 s25, $0x3;
	s13 =	sadd.s32 s3, s1  }
0x14: {  	v46 =	vor.u32 $0x2E0, v0;
	v47 =	vor.u32 $0x2F0, v0;
	v48 =	vor.u32 $0x300, v0;
	[dreg:$0xd] =	wrdreg s28;
	s19 =	simm.s32 $0x3080;
	s3 =	simm.s32 $0xC  }
.Ltmp0:
0x15: {  	v49 =	vor.u32 $0x310, v0;
	v50 =	vor.u32 $0x320, v0;
	v51 =	vor.u32 $0x330, v0;
	s1 =	simm.s32 $0x5;
	[dreg:$0x7] =	wrdreg s6;
	(pc) =	sbr.rel .LBB2_1-.Ltmp0, $4  }
0x16: {  	v52 =	vor.u32 $0x340, v0;
	v53 =	vor.u32 $0x350, v0;
	v54 =	vor.u32 $0x360, v0;
	s23 =	simm.s32 $0x8;
	s6 =	sshrl.u32 s16, $0x2;
	[dreg:$0xa] =	wrdreg s10  }
0x17: {  	v55 =	vor.u32 $0x370, v0;
	v56 =	vor.u32 $0x380, v0;
	v57 =	vor.u32 $0x390, v0;
	s21 =	sadd.s32 s2, s9;
	s29 =	sadd.s32 s26, s2;
	s10 =	sadd.s32 s6, s8  }
0x18: {  	v58 =	vor.u32 $0x3A0, v0;
	v59 =	vor.u32 $0x3B0, v0;
	v60 =	vor.u32 $0x3C0, v0;
	s16 =	simm.s32 $0xD;
	s6 =	sadd.s32 $0x18380, s21;
	s8 =	sadd.s32 $0x1C00, s10  }
0x19: {  	v61 =	vor.u32 $0x3D0, v0;
	v62 =	vor.u32 $0x3E0, v0;
	v63 =	vor.u32 $0x3F0, v0;
	s21 =	simm.s32 $0x6;
	[dreg:$0xb] =	wrdreg s6;
	s25 =	sshrl.u32 s8, $0x3  }
.LBB2_7:
0x1a: {  	_ =	swait.ge [sflag:s30], $0x1C00  }
0x1b: {  	[sflag:s30] =	ssyncset.done $0x0  }
0x1c: {  	s6 =	sor.u32 $0x1C0C, s4;
	s7 =	rddreg [dreg:$0xb];
	[sflag:s30] =	ssyncadd.s32 $0xFFFFE400  }
0x1d: {  	[hbm:s7], [sflag:s6] =	dma.local [spmem:s25], $0x380  }
0x1e: {  	_ =	swait.ge [sflag:s31], $0x380  }
0x1f: {  	[sflag:s31] =	ssyncset.done $0x0  }
0x20: {  	[sflag:s31] =	ssyncadd.s32 $0xFFFFFC80  }
0x21: {  	_ =	swait.ge [sflag:s3], $0x380  }
0x22: {  	[sflag:s3] =	ssyncset.done $0x0  }
0x23: {  	[sflag:s3] =	ssyncadd.s32 $0xFFFFFC80  }
0x24: {  	_ =	swait.ge [sflag:s1], $0x4800  }
0x25: {  	[sflag:s1] =	ssyncset.done $0x0  }
0x26: {  	[sflag:s1] =	ssyncadd.s32 $0xFFFFB800  }
0x27: {  	_ =	swait.ge [sflag:s21], $0x4800  }
0x28: {  	[sflag:s21] =	ssyncset.done $0x0  }
0x29: {  	[sflag:s21] =	ssyncadd.s32 $0xFFFFB800  }
0x2a: {  	_ =	swait.ge [sflag:s22], $0x4800  }
0x2b: {  	[sflag:s22] =	ssyncset.done $0x0  }
0x2c: {  	[sflag:s22] =	ssyncadd.s32 $0xFFFFB800  }
0x2d: {  	_ =	swait.ge [sflag:s23], $0x4800  }
0x2e: {  	s24 =	sadd.s32 $0x1, s24;
	s28 =	rddreg [dreg:$0xc]  }
0x2f: {  	p0 =	sne.s32 s24, s28  }
.Ltmp1:
0x30: {  	_ = 	snop;
	(pc) =	sbr.rel @!p0 .LBB2_8-.Ltmp1, $3  }
0x31: {  	_ =	sdelay $0x1  }
0x32: {  	[sflag:s23] =	ssyncset.done $0x0  }
0x33: {  	[sflag:s23] =	ssyncadd.s32 $0xFFFFB800  }
.LBB2_1:
0x34: {  	s6 =	rddreg [dreg:$0x7]  }
0x35: {  	[tilespmem:s5], [sflag:$0xD] =	stream.linear.gather [hbm4b:s6+s5], $0x2000, $0x38;
	[tilespmem:$0x1F880] =	vst v63  }
0x36: {  	_ =	swait.ge [sflag:s16], $0x2000  }
0x37: {  	[sflag:s16] =	ssyncset.done $0x0  }
0x38: {  	s18 =	rddreg [dreg:$0x8];
	[sflag:s16] =	ssyncadd.s32 $0xFFFFE000  }
0x39: {  	[tilespmem:s17], [sflag:$0xD] =	stream.linear.gather [hbm4b:s18+s5], $0x20, $0x38;
	[tilespmem:$0x1F880] =	vst v63  }
0x3a: {  	_ =	swait.ge [sflag:s16], $0x20  }
0x3b: {  	[sflag:s16] =	ssyncset.done $0x0  }
0x3c: {  	s7 =	simm.s32 $0x80;
	[sflag:s16] =	ssyncadd.s32 $0xFFFFFFE0  }
0x3d: {  	[tilespmem:s19], [sflag:$0x1] =	stream.indirect.gather [hbm4b:s0+s7], $0x80, s5, s7, $0xb8;
	[tilespmem:$0x1F880] =	vst v63  }
0x3e: {  	s26 =	simm.s32 $0x400;
	s8 =	simm.s32 $0x7080  }
0x3f: {  	[tilespmem:s8], [sflag:$0x1] =	stream.indirect.gather [hbm4b:s0+s20], $0x80, s26, s20, $0xb8;
	[tilespmem:$0x1F880] =	vst v63  }
0x40: {  	s11 =	simm.s32 $0x2080;
	s9 =	rddreg [dreg:$0x9]  }
0x41: {  	[tilespmem:s11], [sflag:$0x1] =	stream.linear.gather [hbm4b:s9+s5], $0x400, $0x38;
	[tilespmem:$0x1F880] =	vst v63  }
0x42: {  	s12 =	simm.s32 $0x9480;
	s14 =	simm.s32 $0x480  }
0x43: {  	[tilespmem:s12], [sflag:$0x2] =	stream.indirect.gather [hbm4b:s0+s7], $0x80, s7, s7, $0xb8;
	[tilespmem:$0x1F880] =	vst v63  }
.Ltmp2:
0x44: {  	s15 =	simm.s32 $0xD480;
	s28 =	simm.s32 $0x100;
	(pc) =	sbr.rel .LBB2_2-.Ltmp2, $4  }
0x45: {  	[tilespmem:s15], [sflag:$0x2] =	stream.indirect.gather [hbm4b:s0+s20], $0x80, s14, s20, $0xb8;
	[tilespmem:$0x1F880] =	vst v63  }
0x46: {  	s18 =	rddreg [dreg:$0xa];
	s26 =	simm.s32 $0x2480;
	s7 =	simm.s32 $0x0  }
0x47: {  	[tilespmem:s26], [sflag:$0x2] =	stream.linear.gather [hbm4b:s18+s5], $0x400, $0x38;
	[tilespmem:$0x1F880] =	vst v63  }
0x48: {  	s15 =	smov.u32 s29;
	s14 =	rddreg [dreg:$0xd];
	s26 =	simm.s32 $0x200  }
.LBB2_3:
0x49: {  	s6 =	sadd.s32 $0xB, s8;
	s11 =	smul.u32 $0x7000, s8  }
0x4a: {  	_ =	swait.ge [sflag:s6], $0x380  }
0x4b: {  	[sflag:s6] =	ssyncset.done $0x0;
	s11 =	sshrl.u32 s11, $0x2  }
0x4c: {  	s18 =	sadd.s32 $0x9, s8;
	[sflag:s6] =	ssyncadd.s32 $0xFFFFFC80;
	s11 =	sadd.s32 s11, s10  }
0x4d: {  	[spmem:s11] =	stream.linear.scatter [tilespmem:s9], [sflag:s18], $0x1C00, $0x38;
	[tilespmem:$0x1F880] =	vst v63  }
.LBB2_5:
0x4e: {  	s6 =	sxor.u32 $0x1, s8  }
0x4f: {  	s8 =	sadd.s32 $0x9, s6;
	s9 =	smul.u32 $0x7000, s6  }
0x50: {  	_ =	swait.ge [sflag:s8], $0x1C00  }
0x51: {  	s18 =	sshrl.u32 s14, $0x3;
	[sflag:s8] =	ssyncset.done $0x0;
	s12 =	sshrl.u32 s9, $0x2  }
0x52: {  	s6 =	sor.u32 s4, s6;
	[sflag:s8] =	ssyncadd.s32 $0xFFFFE400;
	s8 =	sadd.s32 s12, s10  }
0x53: {  	s6 =	sadd.s32 $0x1C0B, s6;
	s9 =	sadd.s32 s2, s18;
	s8 =	sshrl.u32 s8, $0x3  }
0x54: {  	[hbm:s9], [sflag:s6] =	dma.local [spmem:s8], $0x380  }
.LBB2_6:
0x55: {  	s7 =	sadd.s32 $0x1, s7  }
0x56: {  	p0 =	sne.s32 s7, $0x20  }
.Ltmp3:
0x57: {  	_ = 	snop;
	(pc) =	sbr.rel @!p0 .LBB2_7-.Ltmp3, $3  }
0x58: {  	_ =	sdelay $0x1  }
0x59: {  	s26 =	sadd.s32 $0x100, s26  }
0x5a: {  	s28 =	sadd.s32 $0x80, s28;
	s14 =	sadd.s32 $0x6400, s14;
	s15 =	sadd.s32 $0xC80, s15  }
.LBB2_2:
0x5b: {  	p0 =	sgt.u32 s7, $0x1D  }
0x5c: {  	s8 =	sadd.s32 $0x2, s7;
	p1 =	slt.u32 @!p0 s7, $0x2  }
0x5d: {  	s8 =	sand.u32 @!p0 $0x3, s8;
	p1 =	por p1, p0  }
0x5e: {  	s9 =	sadd.s32 @!p1 $0x5, s8  }
0x5f: {  	s11 =	smul.u32 @!p0 $0x19000, s8;
	_ =	swait.ge @!p1 [sflag:s9], $0x4800  }
0x60: {  	s12 =	sand.u32 @!p0 $0x3800, s26;
	s18 =	sand.u32 @!p0 $0x380, s28;
	[sflag:s9] =	ssyncset.done @!p1 $0x0  }
0x61: {  	s6 =	simm.s32 @!p0 $0x80;
	[sflag:s9] =	ssyncadd.s32 @!p1 $0xFFFFB800;
	s9 =	sshrl.u32 @!p0 s11, $0x2  }
0x62: {  	s12 =	sor.u32 @!p0 s18, s12;
	s18 =	sadd.s32 @!p0 $0x1, s8;
	s11 =	sadd.s32 @!p0 $0x3080, s9  }
0x63: {  	[tilespmem:s11], [sflag:s18] =	stream.indirect.gather @!p0 [hbm4b:s0+s6], $0x80, s12, s6, $0xb8;
	[tilespmem:$0x1F880] =	vst v63  }
0x64: {  	s6 =	sadd.s32 @!p0 $0x7080, s9;
	s9 =	sor.u32 @!p0 $0x400, s12;
	s11 =	simm.s32 @!p0 $0x48  }
0x65: {  	[tilespmem:s6], [sflag:s18] =	stream.indirect.gather @!p0 [hbm4b:s0+s11], $0x80, s9, s11, $0xb8;
	[tilespmem:$0x1F880] =	vst v63  }
0x66: {  	s12 =	sand.u32 $0x3, s7;
	s6 =	sshll.u32 @!p0 s8, $0xA  }
0x67: {  	s8 =	sadd.s32 @!p0 s28, s13;
	s11 =	simm.s32 @!p0 $0x0;
	s6 =	sor.u32 @!p0 $0x2080, s6  }
0x68: {  	[tilespmem:s6], [sflag:s18] =	stream.linear.gather @!p0 [hbm4b:s8+s11], $0x400, $0x38;
	[tilespmem:$0x1F880] =	vst v63  }
0x69: {  	s18 =	sadd.s32 $0x1, s12  }
0x6a: {  	_ =	swait.ge [sflag:s18], $0x4000  }
0x6b: {  	[sflag:s18] =	ssyncset.done $0x0  }
0x6c: {  	[sflag:s18] =	ssyncadd.s32 $0xFFFFC000  }
0x6d: {  	_ =	swait.ge [sflag:s18], $0x2400  }
0x6e: {  	v0 =	vmov s7;
	[sflag:s18] =	ssyncset.done $0x0  }
0x6f: {  	[sflag:s18] =	ssyncadd.s32 $0xFFFFDC00  }
0x70: {  	_ =	swait.ge [sflag:s18], $0x400  }
0x71: {  	[sflag:s18] =	ssyncset.done $0x0  }
0x72: {  	[sflag:s18] =	ssyncadd.s32 $0xFFFFFC00  }
0x73: {  	v0 =	vld.idx.msk [tilespmem:v0+s17+$0x0], $0xffff  }
0x74: {  	v1 =	vmov s12  }
0x75: {  	v1 =	vmul.u32 $0x6400, v1;
	_ =	sdelay $0x1  }
0x76: {  	v1 =	vbroadcast v1, $0x0  }
0x77: {  	v0 =	vshll.u32 v0, $0x7  }
0x78: {  	v2 =	vlaneseq.u32;
	s6 =	sshll.u32 s12, $0xA;
	v0 =	vadd.s32 v1, v0  }
0x79: {  	v1 =	vld [tilespmem:s6+$0x2080];
	v2 =	vor.u32 v2, v0;
	_ =	sdelay $0x4  }
0x7a: {  	[tilespmem:v2+s19+$0x0] =	vst.idx.add.f32.msk $0xffff, v1  }
0x7b: {  	v2 =	vld [tilespmem:$0x1FFE0];
	_ =	sdelay $0x4  }
0x7c: {  	v1 =	vld [tilespmem:s6+$0x2090];
	v2 =	vor.u32 v2, v0;
	_ =	sdelay $0x4  }
0x7d: {  	[tilespmem:v2+s19+$0x0] =	vst.idx.add.f32.msk $0xffff, v1  }
0x7e: {  	v2 =	vld [tilespmem:$0x1FFF0];
	_ =	sdelay $0x4  }
0x7f: {  	v1 =	vld [tilespmem:s6+$0x20A0];
	v2 =	vor.u32 v2, v0;
	_ =	sdelay $0x4  }
0x80: {  	[tilespmem:v2+s19+$0x0] =	vst.idx.add.f32.msk $0xffff, v1  }
0x81: {  	v2 =	vor.u32 v3, v0;
	v1 =	vld [tilespmem:s6+$0x20B0];
	_ =	sdelay $0x4  }
0x82: {  	[tilespmem:v2+s19+$0x0] =	vst.idx.add.f32.msk $0xffff, v1  }
0x83: {  	v2 =	vor.u32 v4, v0;
	v1 =	vld [tilespmem:s6+$0x20C0];
	_ =	sdelay $0x4  }
0x84: {  	[tilespmem:v2+s19+$0x0] =	vst.idx.add.f32.msk $0xffff, v1  }
0x85: {  	v2 =	vor.u32 v5, v0;
	v1 =	vld [tilespmem:s6+$0x20D0];
	_ =	sdelay $0x4  }
0x86: {  	[tilespmem:v2+s19+$0x0] =	vst.idx.add.f32.msk $0xffff, v1  }
0x87: {  	v2 =	vor.u32 v6, v0;
	v1 =	vld [tilespmem:s6+$0x20E0];
	_ =	sdelay $0x4  }
0x88: {  	[tilespmem:v2+s19+$0x0] =	vst.idx.add.f32.msk $0xffff, v1  }
0x89: {  	v2 =	vor.u32 v7, v0;
	v1 =	vld [tilespmem:s6+$0x20F0];
	_ =	sdelay $0x4  }
0x8a: {  	[tilespmem:v2+s19+$0x0] =	vst.idx.add.f32.msk $0xffff, v1  }
0x8b: {  	v2 =	vadd.s32 v8, v0;
	v1 =	vld [tilespmem:s6+$0x2100];
	_ =	sdelay $0x4  }
0x8c: {  	[tilespmem:v2+s19+$0x0] =	vst.idx.add.f32.msk $0xffff, v1  }
0x8d: {  	v2 =	vadd.s32 v9, v0;
	v1 =	vld [tilespmem:s6+$0x2110];
	_ =	sdelay $0x4  }
0x8e: {  	[tilespmem:v2+s19+$0x0] =	vst.idx.add.f32.msk $0xffff, v1  }
0x8f: {  	v2 =	vadd.s32 v10, v0;
	v1 =	vld [tilespmem:s6+$0x2120];
	_ =	sdelay $0x4  }
0x90: {  	[tilespmem:v2+s19+$0x0] =	vst.idx.add.f32.msk $0xffff, v1  }
0x91: {  	v2 =	vadd.s32 v11, v0;
	v1 =	vld [tilespmem:s6+$0x2130];
	_ =	sdelay $0x4  }
0x92: {  	[tilespmem:v2+s19+$0x0] =	vst.idx.add.f32.msk $0xffff, v1  }
0x93: {  	v2 =	vadd.s32 v12, v0;
	v1 =	vld [tilespmem:s6+$0x2140];
	_ =	sdelay $0x4  }
0x94: {  	[tilespmem:v2+s19+$0x0] =	vst.idx.add.f32.msk $0xffff, v1  }
0x95: {  	v2 =	vadd.s32 v13, v0;
	v1 =	vld [tilespmem:s6+$0x2150];
	_ =	sdelay $0x4  }
0x96: {  	[tilespmem:v2+s19+$0x0] =	vst.idx.add.f32.msk $0xffff, v1  }
0x97: {  	v2 =	vadd.s32 v14, v0;
	v1 =	vld [tilespmem:s6+$0x2160];
	_ =	sdelay $0x4  }
0x98: {  	[tilespmem:v2+s19+$0x0] =	vst.idx.add.f32.msk $0xffff, v1  }
0x99: {  	v2 =	vadd.s32 v15, v0;
	v1 =	vld [tilespmem:s6+$0x2170];
	_ =	sdelay $0x4  }
0x9a: {  	[tilespmem:v2+s19+$0x0] =	vst.idx.add.f32.msk $0xffff, v1  }
0x9b: {  	v2 =	vadd.s32 v16, v0;
	v1 =	vld [tilespmem:s6+$0x2180];
	_ =	sdelay $0x4  }
0x9c: {  	[tilespmem:v2+s19+$0x0] =	vst.idx.add.f32.msk $0xffff, v1  }
0x9d: {  	v2 =	vadd.s32 v17, v0;
	v1 =	vld [tilespmem:s6+$0x2190];
	_ =	sdelay $0x4  }
0x9e: {  	[tilespmem:v2+s19+$0x0] =	vst.idx.add.f32.msk $0xffff, v1  }
0x9f: {  	v2 =	vadd.s32 v18, v0;
	v1 =	vld [tilespmem:s6+$0x21A0];
	_ =	sdelay $0x4  }
0xa0: {  	[tilespmem:v2+s19+$0x0] =	vst.idx.add.f32.msk $0xffff, v1  }
0xa1: {  	v2 =	vadd.s32 v19, v0;
	v1 =	vld [tilespmem:s6+$0x21B0];
	_ =	sdelay $0x4  }
0xa2: {  	[tilespmem:v2+s19+$0x0] =	vst.idx.add.f32.msk $0xffff, v1  }
0xa3: {  	v2 =	vadd.s32 v20, v0;
	v1 =	vld [tilespmem:s6+$0x21C0];
	_ =	sdelay $0x4  }
0xa4: {  	[tilespmem:v2+s19+$0x0] =	vst.idx.add.f32.msk $0xffff, v1  }
0xa5: {  	v2 =	vadd.s32 v21, v0;
	v1 =	vld [tilespmem:s6+$0x21D0];
	_ =	sdelay $0x4  }
0xa6: {  	[tilespmem:v2+s19+$0x0] =	vst.idx.add.f32.msk $0xffff, v1  }
0xa7: {  	v2 =	vadd.s32 v22, v0;
	v1 =	vld [tilespmem:s6+$0x21E0];
	_ =	sdelay $0x4  }
0xa8: {  	[tilespmem:v2+s19+$0x0] =	vst.idx.add.f32.msk $0xffff, v1  }
0xa9: {  	v2 =	vadd.s32 v23, v0;
	v1 =	vld [tilespmem:s6+$0x21F0];
	_ =	sdelay $0x4  }
0xaa: {  	[tilespmem:v2+s19+$0x0] =	vst.idx.add.f32.msk $0xffff, v1  }
0xab: {  	v2 =	vadd.s32 v24, v0;
	v1 =	vld [tilespmem:s6+$0x2200];
	_ =	sdelay $0x4  }
0xac: {  	[tilespmem:v2+s19+$0x0] =	vst.idx.add.f32.msk $0xffff, v1  }
0xad: {  	v2 =	vadd.s32 v25, v0;
	v1 =	vld [tilespmem:s6+$0x2210];
	_ =	sdelay $0x4  }
0xae: {  	[tilespmem:v2+s19+$0x0] =	vst.idx.add.f32.msk $0xffff, v1  }
0xaf: {  	v2 =	vadd.s32 v26, v0;
	v1 =	vld [tilespmem:s6+$0x2220];
	_ =	sdelay $0x4  }
0xb0: {  	[tilespmem:v2+s19+$0x0] =	vst.idx.add.f32.msk $0xffff, v1  }
0xb1: {  	v2 =	vadd.s32 v27, v0;
	v1 =	vld [tilespmem:s6+$0x2230];
	_ =	sdelay $0x4  }
0xb2: {  	[tilespmem:v2+s19+$0x0] =	vst.idx.add.f32.msk $0xffff, v1  }
0xb3: {  	v2 =	vadd.s32 v28, v0;
	v1 =	vld [tilespmem:s6+$0x2240];
	_ =	sdelay $0x4  }
0xb4: {  	[tilespmem:v2+s19+$0x0] =	vst.idx.add.f32.msk $0xffff, v1  }
0xb5: {  	v2 =	vadd.s32 v29, v0;
	v1 =	vld [tilespmem:s6+$0x2250];
	_ =	sdelay $0x4  }
0xb6: {  	[tilespmem:v2+s19+$0x0] =	vst.idx.add.f32.msk $0xffff, v1  }
0xb7: {  	v2 =	vadd.s32 v30, v0;
	v1 =	vld [tilespmem:s6+$0x2260];
	_ =	sdelay $0x4  }
0xb8: {  	[tilespmem:v2+s19+$0x0] =	vst.idx.add.f32.msk $0xffff, v1  }
0xb9: {  	v2 =	vadd.s32 v31, v0;
	v1 =	vld [tilespmem:s6+$0x2270];
	_ =	sdelay $0x4  }
0xba: {  	[tilespmem:v2+s19+$0x0] =	vst.idx.add.f32.msk $0xffff, v1  }
0xbb: {  	v2 =	vadd.s32 v32, v0;
	v1 =	vld [tilespmem:s6+$0x2280];
	_ =	sdelay $0x4  }
0xbc: {  	[tilespmem:v2+s19+$0x0] =	vst.idx.add.f32.msk $0xffff, v1  }
0xbd: {  	v2 =	vadd.s32 v33, v0;
	v1 =	vld [tilespmem:s6+$0x2290];
	_ =	sdelay $0x4  }
0xbe: {  	[tilespmem:v2+s19+$0x0] =	vst.idx.add.f32.msk $0xffff, v1  }
0xbf: {  	v2 =	vadd.s32 v34, v0;
	v1 =	vld [tilespmem:s6+$0x22A0];
	_ =	sdelay $0x4  }
0xc0: {  	[tilespmem:v2+s19+$0x0] =	vst.idx.add.f32.msk $0xffff, v1  }
0xc1: {  	v2 =	vadd.s32 v35, v0;
	v1 =	vld [tilespmem:s6+$0x22B0];
	_ =	sdelay $0x4  }
0xc2: {  	[tilespmem:v2+s19+$0x0] =	vst.idx.add.f32.msk $0xffff, v1  }
0xc3: {  	v2 =	vadd.s32 v36, v0;
	v1 =	vld [tilespmem:s6+$0x22C0];
	_ =	sdelay $0x4  }
0xc4: {  	[tilespmem:v2+s19+$0x0] =	vst.idx.add.f32.msk $0xffff, v1  }
0xc5: {  	v2 =	vadd.s32 v37, v0;
	v1 =	vld [tilespmem:s6+$0x22D0];
	_ =	sdelay $0x4  }
0xc6: {  	[tilespmem:v2+s19+$0x0] =	vst.idx.add.f32.msk $0xffff, v1  }
0xc7: {  	v2 =	vadd.s32 v38, v0;
	v1 =	vld [tilespmem:s6+$0x22E0];
	_ =	sdelay $0x4  }
0xc8: {  	[tilespmem:v2+s19+$0x0] =	vst.idx.add.f32.msk $0xffff, v1  }
0xc9: {  	v2 =	vadd.s32 v39, v0;
	v1 =	vld [tilespmem:s6+$0x22F0];
	_ =	sdelay $0x4  }
0xca: {  	[tilespmem:v2+s19+$0x0] =	vst.idx.add.f32.msk $0xffff, v1  }
0xcb: {  	v2 =	vadd.s32 v40, v0;
	v1 =	vld [tilespmem:s6+$0x2300];
	_ =	sdelay $0x4  }
0xcc: {  	[tilespmem:v2+s19+$0x0] =	vst.idx.add.f32.msk $0xffff, v1  }
0xcd: {  	v2 =	vadd.s32 v41, v0;
	v1 =	vld [tilespmem:s6+$0x2310];
	_ =	sdelay $0x4  }
0xce: {  	[tilespmem:v2+s19+$0x0] =	vst.idx.add.f32.msk $0xffff, v1  }
0xcf: {  	v2 =	vadd.s32 v42, v0;
	v1 =	vld [tilespmem:s6+$0x2320];
	_ =	sdelay $0x4  }
0xd0: {  	[tilespmem:v2+s19+$0x0] =	vst.idx.add.f32.msk $0xffff, v1  }
0xd1: {  	v2 =	vadd.s32 v43, v0;
	v1 =	vld [tilespmem:s6+$0x2330];
	_ =	sdelay $0x4  }
0xd2: {  	[tilespmem:v2+s19+$0x0] =	vst.idx.add.f32.msk $0xffff, v1  }
0xd3: {  	v2 =	vadd.s32 v44, v0;
	v1 =	vld [tilespmem:s6+$0x2340];
	_ =	sdelay $0x4  }
0xd4: {  	[tilespmem:v2+s19+$0x0] =	vst.idx.add.f32.msk $0xffff, v1  }
0xd5: {  	v2 =	vadd.s32 v45, v0;
	v1 =	vld [tilespmem:s6+$0x2350];
	_ =	sdelay $0x4  }
0xd6: {  	[tilespmem:v2+s19+$0x0] =	vst.idx.add.f32.msk $0xffff, v1  }
0xd7: {  	v2 =	vadd.s32 v46, v0;
	v1 =	vld [tilespmem:s6+$0x2360];
	_ =	sdelay $0x4  }
0xd8: {  	[tilespmem:v2+s19+$0x0] =	vst.idx.add.f32.msk $0xffff, v1  }
0xd9: {  	v2 =	vadd.s32 v47, v0;
	v1 =	vld [tilespmem:s6+$0x2370];
	_ =	sdelay $0x4  }
0xda: {  	[tilespmem:v2+s19+$0x0] =	vst.idx.add.f32.msk $0xffff, v1  }
0xdb: {  	v2 =	vadd.s32 v48, v0;
	v1 =	vld [tilespmem:s6+$0x2380];
	_ =	sdelay $0x4  }
0xdc: {  	[tilespmem:v2+s19+$0x0] =	vst.idx.add.f32.msk $0xffff, v1  }
0xdd: {  	v2 =	vadd.s32 v49, v0;
	v1 =	vld [tilespmem:s6+$0x2390];
	_ =	sdelay $0x4  }
0xde: {  	[tilespmem:v2+s19+$0x0] =	vst.idx.add.f32.msk $0xffff, v1  }
0xdf: {  	v2 =	vadd.s32 v50, v0;
	v1 =	vld [tilespmem:s6+$0x23A0];
	_ =	sdelay $0x4  }
0xe0: {  	[tilespmem:v2+s19+$0x0] =	vst.idx.add.f32.msk $0xffff, v1  }
0xe1: {  	v2 =	vadd.s32 v51, v0;
	v1 =	vld [tilespmem:s6+$0x23B0];
	_ =	sdelay $0x4  }
0xe2: {  	[tilespmem:v2+s19+$0x0] =	vst.idx.add.f32.msk $0xffff, v1  }
0xe3: {  	v2 =	vadd.s32 v52, v0;
	v1 =	vld [tilespmem:s6+$0x23C0];
	_ =	sdelay $0x4  }
0xe4: {  	[tilespmem:v2+s19+$0x0] =	vst.idx.add.f32.msk $0xffff, v1  }
0xe5: {  	v2 =	vadd.s32 v53, v0;
	v1 =	vld [tilespmem:s6+$0x23D0];
	_ =	sdelay $0x4  }
0xe6: {  	[tilespmem:v2+s19+$0x0] =	vst.idx.add.f32.msk $0xffff, v1  }
0xe7: {  	v2 =	vadd.s32 v54, v0;
	v1 =	vld [tilespmem:s6+$0x23E0];
	_ =	sdelay $0x4  }
0xe8: {  	[tilespmem:v2+s19+$0x0] =	vst.idx.add.f32.msk $0xffff, v1  }
0xe9: {  	v2 =	vadd.s32 v55, v0;
	v1 =	vld [tilespmem:s6+$0x23F0];
	_ =	sdelay $0x4  }
0xea: {  	[tilespmem:v2+s19+$0x0] =	vst.idx.add.f32.msk $0xffff, v1  }
0xeb: {  	v2 =	vadd.s32 v56, v0;
	v1 =	vld [tilespmem:s6+$0x2400];
	_ =	sdelay $0x4  }
0xec: {  	[tilespmem:v2+s19+$0x0] =	vst.idx.add.f32.msk $0xffff, v1  }
0xed: {  	v2 =	vadd.s32 v57, v0;
	v1 =	vld [tilespmem:s6+$0x2410];
	_ =	sdelay $0x4  }
0xee: {  	[tilespmem:v2+s19+$0x0] =	vst.idx.add.f32.msk $0xffff, v1  }
0xef: {  	v2 =	vadd.s32 v58, v0;
	v1 =	vld [tilespmem:s6+$0x2420];
	_ =	sdelay $0x4  }
0xf0: {  	[tilespmem:v2+s19+$0x0] =	vst.idx.add.f32.msk $0xffff, v1  }
0xf1: {  	v2 =	vadd.s32 v59, v0;
	v1 =	vld [tilespmem:s6+$0x2430];
	_ =	sdelay $0x4  }
0xf2: {  	[tilespmem:v2+s19+$0x0] =	vst.idx.add.f32.msk $0xffff, v1  }
0xf3: {  	v2 =	vadd.s32 v60, v0;
	v1 =	vld [tilespmem:s6+$0x2440];
	_ =	sdelay $0x4  }
0xf4: {  	[tilespmem:v2+s19+$0x0] =	vst.idx.add.f32.msk $0xffff, v1  }
0xf5: {  	v2 =	vadd.s32 v61, v0;
	v1 =	vld [tilespmem:s6+$0x2450];
	_ =	sdelay $0x4  }
0xf6: {  	[tilespmem:v2+s19+$0x0] =	vst.idx.add.f32.msk $0xffff, v1  }
0xf7: {  	v2 =	vadd.s32 v62, v0;
	v1 =	vld [tilespmem:s6+$0x2460];
	_ =	sdelay $0x4  }
0xf8: {  	[tilespmem:v2+s19+$0x0] =	vst.idx.add.f32.msk $0xffff, v1  }
0xf9: {  	v0 =	vadd.s32 v63, v0;
	v1 =	vld [tilespmem:s6+$0x2470]  }
0xfa: {  	s11 =	smul.u32 $0x19000, s12;
	p0 =	slt.u32 s7, $0x2  }
.Ltmp4:
0xfb: {  	_ = 	snop;
	(pc) =	sbr.rel @!p0 .LBB2_3-.Ltmp4, $4  }
0xfc: {  	_ = 	snop  }
0xfd: {  	s12 =	sadd.s32 $0x5, s12;
	s6 =	sshrl.u32 s11, $0x2  }
0xfe: {  	s8 =	sand.u32 $0x1, s7;
	s18 =	sadd.s32 $0x4C80, s6;
	s9 =	sadd.s32 $0x3080, s6;
	[tilespmem:v0+s19+$0x0] =	vst.idx.add.f32.msk $0xffff, v1  }
0xff: {  	[hbm4b:s15+s5] =	stream.linear.scatter [tilespmem:s18], [sflag:s12], $0x4800, $0x38;
	[tilespmem:$0x1F880] =	vst v63  }
0x100: {  	s6 =	smul.u32 $0x7000, s8;
	p0 =	seq.s32 s7, $0x0  }
.Ltmp5:
0x101: {  	_ = 	snop;
	(pc) =	sbr.rel @!p0 .LBB2_5-.Ltmp5, $4  }
.Ltmp6:
0x102: {  	_ = 	snop;
	(pc) =	sbr.rel @p0 .LBB2_6-.Ltmp6, $4  }
0x103: {  	s6 =	sshrl.u32 s6, $0x2  }
0x104: {  	s11 =	sadd.s32 $0x9, s8;
	s6 =	sadd.s32 s6, s10  }
0x105: {  	[spmem:s6] =	stream.linear.scatter [tilespmem:s9], [sflag:s11], $0x1C00, $0x38;
	[tilespmem:$0x1F880] =	vst v63  }
0x106: {  	_ = 	snop  }
.LBB2_8:
0x107: {  	_ =	sfence.sel $0x180000  }
0x108: {  	[bflag:$0x0] =	sbarrier.arrive $0xFFFF  }
0x109: {  	_ =	strace $0x90000047  }
0x10a: {  	s0 =	stileid.u32;
	[bflag:$0x2] =	sbarrier.arrive $0xFFFF  }
0x10b: {  	p0 =	sne.s32 s0, $0x0;
	s0 =	rddreg [dreg:$0x6]  }
0x10c: {  	s0 =	sadd.s32 @!p0 $0x100000, s0  }
0x10d: {  	[sflag:s0] =	ssyncadd.tile.s32 @!p0 $0x1;
	_ =	shalt  }
.Lfunc_end2:
_tile_overlayer_lowered:
.L_overlay_start_2:
0x10e: {  	(tag) =	ssettag $0x2  }
0x10f: {  	s0 =	rddreg [dreg:$0x0];
	s2 =	stileid.u32  }
0x110: {  	s1 =	rddreg [dreg:$0x1];
	p0 =	sne.s32 s2, $0x0  }
0x111: {  	s3 =	rddreg [dreg:$0x2];
	[bflag:$0x3] =	sbarrier.arrive $0xFFFF;
	s2 =	simm.s32 @!p0 $0x1C0D  }
0x112: {  	[timem:s3], [sflag:s2] =	dma.local @!p0 [hbm:s0], s1  }
0x113: {  	s0 =	simm.s32 @!p0 $0xD  }
0x114: {  	_ =	swait.ge @!p0 [sflag:s0], s1  }
0x115: {  	s1 =	ssub.s32 @!p0 $0x0, s1;
	[sflag:s0] =	ssyncset.done @!p0 $0x0  }
0x116: {  	[sflag:s0] =	ssyncadd.s32 @!p0 s1  }
0x117: {  	[bflag:$0x3] =	sbarrier.arrive $0xFFFF  }
0x118: {  	_ =	shalt  }

</sc_bundles>
